<compile_context>
chip_gen: v7x
topology: tpu7x:2x2x1
jax: 0.10.2.dev20260603
libtpu: 0.0.44.dev20260713+nightly
codegen_flags: <defaults>
</compile_context>

<pallas_src>
import functools

import jax
import jax.numpy as jnp
from jax import lax
from jax.experimental import pallas as pl
from jax.experimental.pallas import tpu as pltpu
from jax.experimental.pallas import tpu_sc as plsc

N = 10000
E = 320000
IN = 128
H = 64
OUT = 64
C = 40

NC = 2
NS = 16
BATCH = 128
STEPS = 157
EPT = STEPS * BATCH
E_PAD = EPT * NS
N_PAD = 10016
STRIPE = N_PAD // NS
TSTRIPE = N // NS
ROWS_BLK = 2000
NBUF = 8
GAHEAD = 4
SLAG = 4
DH1 = H // 2
CH = C // 2
DH2 = 24


def _tc_in_proj(x, Wl1, Wr1):
    def body(x_ref, wl_ref, wr_ref, o_ref):
        xb = x_ref[...]
        dn = (((1,), (1,)), ((), ()))
        r1 = lax.dot_general(xb, wl_ref[...], dn,
                             preferred_element_type=jnp.float32)
        r2 = lax.dot_general(xb, wr_ref[...], dn,
                             preferred_element_type=jnp.float32)
        o_ref[...] = jnp.concatenate([r1, r2], axis=1)

    grid = (N // ROWS_BLK,)
    return pl.pallas_call(
        body,
        grid=grid,
        in_specs=[
            pl.BlockSpec((ROWS_BLK, IN), lambda i: (i, 0)),
            pl.BlockSpec((H, IN), lambda i: (0, 0)),
            pl.BlockSpec((H, IN), lambda i: (0, 0)),
        ],
        out_specs=pl.BlockSpec((ROWS_BLK, 128), lambda i: (i, 0)),
        out_shape=jax.ShapeDtypeStruct((N, 128), jnp.float32),
    )(x, Wl1, Wr1)


def _sc_segment_mean(table, col_off, D, src_r, dst_r, z_acc, ones_b, z_cnt,
                     cnt_in):
    count = ones_b is not None
    mesh = plsc.VectorSubcoreMesh(core_axis_name="c", subcore_axis_name="s")

    out_type = [jax.ShapeDtypeStruct((NC, N_PAD, D), jnp.float32)]
    scratch = [
        pltpu.VMEM((STEPS, BATCH), jnp.int32),
        pltpu.VMEM((STEPS, BATCH), jnp.int32),
        pltpu.VMEM((NBUF, BATCH, D), jnp.float32),
        pltpu.VMEM_SHARED((N_PAD, D), jnp.float32),
        pltpu.VMEM_SHARED((N_PAD, D), jnp.float32),
        pltpu.SemaphoreType.DMA,
        pltpu.SemaphoreType.DMA,
    ]
    if count:
        out_type.append(jax.ShapeDtypeStruct((NC, N_PAD, 8), jnp.float32))
        scratch.append(pltpu.VMEM((BATCH, 8), jnp.float32))
        scratch.append(pltpu.VMEM_SHARED((N_PAD, 8), jnp.float32))
        scratch.append(pltpu.SemaphoreType.DMA)

    @functools.partial(
        pl.kernel,
        mesh=mesh,
        out_type=out_type,
        scratch_types=scratch,
        compiler_params=pltpu.CompilerParams(use_tc_tiling_on_sc=False),
    )
    def k(*refs):
        if count:
            (table_h, edges_h, zacc_h, ones_h, zcnt_h,
             out_h, cnt_h, src_v, dst_v, rows_v,
             table_s, acc_s, gsem, ssem, ones_v, cacc_s, csem) = refs
        else:
            (table_h, edges_h, zacc_h,
             out_h, src_v, dst_v, rows_v,
             table_s, acc_s, gsem, ssem) = refs
        c = lax.axis_index("c")
        s = lax.axis_index("s")
        r0 = s * STRIPE
        t0 = s * TSTRIPE
        co = col_off * c

        pltpu.sync_copy(edges_h.at[0, s], src_v)
        pltpu.sync_copy(edges_h.at[1, s], dst_v)
        pltpu.sync_copy(table_h.at[pl.ds(t0, TSTRIPE), pl.ds(co, D)],
                        table_s.at[pl.ds(t0, TSTRIPE)])
        pltpu.sync_copy(zacc_h.at[pl.ds(r0, STRIPE)], acc_s.at[pl.ds(r0, STRIPE)])
        if count:
            pltpu.sync_copy(ones_h, ones_v)
            pltpu.sync_copy(zcnt_h.at[pl.ds(r0, STRIPE)],
                            cacc_s.at[pl.ds(r0, STRIPE)])
        plsc.subcore_barrier()

        for jj in range(GAHEAD):
            pltpu.async_copy(table_s.at[src_v.at[jj]], rows_v.at[jj], gsem)

        def step(j, carry):
            p = lax.rem(j, NBUF)

            @pl.when(j >= SLAG)
            def _():
                jo = j - SLAG
                po = lax.rem(jo, NBUF)
                pltpu.make_async_copy(rows_v.at[po],
                                      acc_s.at[dst_v.at[jo]], ssem).wait()
                if count:
                    @pl.when(lax.rem(jo, 2) == c)
                    def _():
                        pltpu.make_async_copy(ones_v,
                                              cacc_s.at[dst_v.at[jo]],
                                              csem).wait()

            @pl.when(j + GAHEAD < STEPS)
            def _():
                jn = j + GAHEAD
                pltpu.async_copy(table_s.at[src_v.at[jn]],
                                 rows_v.at[lax.rem(jn, NBUF)], gsem)

            pltpu.make_async_copy(table_s.at[src_v.at[j]],
                                  rows_v.at[p], gsem).wait()
            pltpu.async_copy(rows_v.at[p], acc_s.at[dst_v.at[j]], ssem,
                             add=True)
            if count:
                @pl.when(lax.rem(j, 2) == c)
                def _():
                    pltpu.async_copy(ones_v, cacc_s.at[dst_v.at[j]], csem,
                                     add=True)
            return carry

        lax.fori_loop(0, STEPS, step, 0)
        for jj in range(STEPS - SLAG, STEPS):
            pltpu.make_async_copy(rows_v.at[jj % NBUF],
                                  acc_s.at[dst_v.at[jj]], ssem).wait()
            if count:
                @pl.when(lax.rem(jj, 2) == c)
                def _():
                    pltpu.make_async_copy(ones_v, cacc_s.at[dst_v.at[jj]],
                                          csem).wait()
        plsc.subcore_barrier()

        pltpu.sync_copy(acc_s.at[pl.ds(r0, STRIPE)],
                        out_h.at[c, pl.ds(r0, STRIPE)])
        if count:
            pltpu.sync_copy(cacc_s.at[pl.ds(r0, STRIPE)],
                            cnt_h.at[c, pl.ds(r0, STRIPE)])

    if count:
        res = k(table, src_r, z_acc, ones_b, z_cnt)
    else:
        res = k(table, src_r, z_acc)
    if isinstance(res, (list, tuple)):
        return tuple(res)
    return (res,)


def _tc_mid(agg1, cnt8, xcat, bl1_2d, Wl2, Wr2, Wc):
    def body(m_ref, c_ref, xc_ref, b_ref, wl2_ref, wr2_ref, wc_ref, o_ref):
        aggsum = jnp.concatenate([m_ref[0], m_ref[1]], axis=1)
        cnt = c_ref[0, :, 0:1] + c_ref[1, :, 0:1]
        inv = 1.0 / jnp.maximum(cnt, 1.0)
        h = jnp.maximum(aggsum * inv + b_ref[0:1, :] + xc_ref[:, H:], 0.0)
        MA = jnp.dot(wc_ref[...], wl2_ref[...],
                     preferred_element_type=jnp.float32)
        MB = jnp.dot(wc_ref[...], wr2_ref[...],
                     preferred_element_type=jnp.float32)
        dn = (((1,), (1,)), ((), ()))
        hA = lax.dot_general(h, MA, dn, preferred_element_type=jnp.float32)
        hB = lax.dot_general(h, MB, dn, preferred_element_type=jnp.float32)
        z4 = jnp.zeros((hA.shape[0], DH2 - CH), jnp.float32)
        z40 = jnp.zeros((hA.shape[0], 128 - 2 * DH2 - C), jnp.float32)
        o_ref[...] = jnp.concatenate(
            [hA[:, :CH], z4, hA[:, CH:], z4, hB, z40], axis=1)

    grid = (N // ROWS_BLK,)
    blk = lambda d: pl.BlockSpec((ROWS_BLK, d), lambda i: (i, 0))
    full = lambda a, b: pl.BlockSpec((a, b), lambda i: (0, 0))
    return pl.pallas_call(
        body,
        grid=grid,
        in_specs=[pl.BlockSpec((2, ROWS_BLK, DH1), lambda i: (0, i, 0)),
                  pl.BlockSpec((2, ROWS_BLK, 8), lambda i: (0, i, 0)),
                  blk(128), full(8, H),
                  full(OUT, H), full(OUT, H), full(C, OUT)],
        out_specs=blk(128),
        out_shape=jax.ShapeDtypeStruct((N, 128), jnp.float32),
    )(agg1, cnt8, xcat, bl1_2d, Wl2, Wr2, Wc)


def _tc_out(agg2, cnt8, hcat, bl2_2d, bc_2d, Wc):
    def body(m_ref, c_ref, hc_ref, bl_ref, bc_ref, wc_ref, o_ref):
        aggsum = jnp.concatenate([m_ref[0][:, :CH], m_ref[1][:, :CH]], axis=1)
        cnt = c_ref[0, :, 0:1] + c_ref[1, :, 0:1]
        agg = aggsum * (1.0 / jnp.maximum(cnt, 1.0))
        dn = (((1,), (1,)), ((), ()))
        c2 = lax.dot_general(bl_ref[0:1, :], wc_ref[...], dn,
                             preferred_element_type=jnp.float32)
        o_ref[...] = (agg + hc_ref[:, 2 * DH2:2 * DH2 + C]
                      + c2 + bc_ref[0:1, :])

    grid = (N // ROWS_BLK,)
    blk = lambda d: pl.BlockSpec((ROWS_BLK, d), lambda i: (i, 0))
    full = lambda a, b: pl.BlockSpec((a, b), lambda i: (0, 0))
    return pl.pallas_call(
        body,
        grid=grid,
        in_specs=[pl.BlockSpec((2, ROWS_BLK, DH2), lambda i: (0, i, 0)),
                  pl.BlockSpec((2, ROWS_BLK, 8), lambda i: (0, i, 0)),
                  blk(128), full(8, OUT),
                  full(8, C), full(C, OUT)],
        out_specs=blk(C),
        out_shape=jax.ShapeDtypeStruct((N, C), jnp.float32),
    )(agg2, cnt8, hcat, bl2_2d, bc_2d, Wc)


def kernel(x, edge_index, Wl1, bl1, Wr1, Wl2, bl2, Wr2, Wc, bc):
    pad = E_PAD - E
    src_r = jnp.pad(edge_index, ((0, 0), (0, pad)), constant_values=N
                    ).reshape(2, NS, STEPS, BATCH)
    z32 = jnp.zeros((N_PAD, DH1), jnp.float32)
    z24 = jnp.zeros((N_PAD, DH2), jnp.float32)
    z8 = jnp.zeros((N_PAD, 8), jnp.float32)
    ones_b = jnp.ones((BATCH, 8), jnp.float32)
    bl1_2d = jnp.broadcast_to(bl1[None, :], (8, H))
    bl2_2d = jnp.broadcast_to(bl2[None, :], (8, OUT))
    bc_2d = jnp.broadcast_to(bc[None, :], (8, C))

    xcat = _tc_in_proj(x, Wl1, Wr1)

    agg1, cnt8 = _sc_segment_mean(xcat, DH1, DH1, src_r, None, z32,
                                  ones_b, z8, None)

    hcat = _tc_mid(agg1, cnt8, xcat, bl1_2d, Wl2, Wr2, Wc)

    (agg2,) = _sc_segment_mean(hcat, DH2, DH2, src_r, None, z24,
                               None, None, None)

    return _tc_out(agg2, cnt8, hcat, bl2_2d, bc_2d, Wc)

# --- scband reference (transcript-rebuilt; emitter-appended) ---
"""Pipeline reference for scband-gnn-15753940042143 (READ-ONLY COPY).

The authoritative reference and input builder live on the scoring server;
editing this copy changes nothing except your own understanding.
"""

import jax, jax.numpy as jnp
import numpy as np

N = 10000
E = 320000
IN = 128
H = 64
OUT = 64
C = 40


def setup_inputs(seed: int = 0) -> dict:
    key = jax.random.key(seed)
    ks = jax.random.split(key, 12)
    x = jax.random.normal(ks[0], (N, IN), dtype=jnp.float32)
    edge_index = jax.random.randint(ks[1], (2, E), 0, N, dtype=jnp.int32)
    # SAGEConv params: lin_l (applied to aggregated neighbors, with bias), lin_r (applied to root, no bias)
    Wl1 = jax.random.normal(ks[2], (H, IN), dtype=jnp.float32) * (1.0 / np.sqrt(IN))
    bl1 = jnp.zeros((H,), dtype=jnp.float32)
    Wr1 = jax.random.normal(ks[3], (H, IN), dtype=jnp.float32) * (1.0 / np.sqrt(IN))
    Wl2 = jax.random.normal(ks[4], (OUT, H), dtype=jnp.float32) * (1.0 / np.sqrt(H))
    bl2 = jnp.zeros((OUT,), dtype=jnp.float32)
    Wr2 = jax.random.normal(ks[5], (OUT, H), dtype=jnp.float32) * (1.0 / np.sqrt(H))
    Wc = jax.random.normal(ks[6], (C, OUT), dtype=jnp.float32) * (1.0 / np.sqrt(OUT))
    bc = jnp.zeros((C,), dtype=jnp.float32)
    return {"x": x, "edge_index": edge_index, "Wl1": Wl1, "bl1": bl1, "Wr1": Wr1,
            "Wl2": Wl2, "bl2": bl2, "Wr2": Wr2, "Wc": Wc, "bc": bc}


def _sage_conv(x, edge_index, Wl, bl, Wr):
    # PyG SAGEConv with aggr='mean', flow source_to_target:
    # out = lin_l(mean_{j in N(i)} x_j) + lin_r(x_i)
    src = edge_index[0]
    dst = edge_index[1]
    msg = x[src]  # gather (SparseCore-friendly)
    n = x.shape[0]
    agg_sum = jax.ops.segment_sum(msg, dst, num_segments=n)  # scatter-add
    cnt = jax.ops.segment_sum(jnp.ones((edge_index.shape[1],), jnp.float32), dst, num_segments=n)
    mean = agg_sum / jnp.clip(cnt, 1.0, None)[:, None]
    return mean @ Wl.T + bl + x @ Wr.T


def reference(x, edge_index, Wl1, bl1, Wr1, Wl2, bl2, Wr2, Wc, bc):
    h = _sage_conv(x, edge_index, Wl1, bl1, Wr1)
    h = jax.nn.relu(h)
    # dropout p=0.5 is identity in eval mode
    h = _sage_conv(h, edge_index, Wl2, bl2, Wr2)
    out = h @ Wc.T + bc
    return out

if __name__ == "__main__":
    import jax
    _d = setup_inputs()
    print(jax.jit(kernel)(*tuple(_d.values())))

</pallas_src>

<mosaic_0001>
#map = affine_map<(d0, d1) -> (0, 0)>
#map1 = affine_map<(d0, d1) -> (0, 0, 0, 0)>
#map2 = affine_map<(d0, d1) -> (0, 0, 0)>
module attributes {stable_mosaic.version = 14 : i64} {
  func.func @k(%arg0: i32, %arg1: i32, %arg2: memref<10000x128xf32, #tpu.memory_space<hbm>>, %arg3: memref<2x16x157x128xi32, #tpu.memory_space<hbm>>, %arg4: memref<10016x32xf32, #tpu.memory_space<hbm>>, %arg5: memref<128x8xf32, #tpu.memory_space<hbm>>, %arg6: memref<10016x8xf32, #tpu.memory_space<hbm>>, %arg7: memref<2x10016x32xf32, #tpu.memory_space<hbm>>, %arg8: memref<2x10016x8xf32, #tpu.memory_space<hbm>>, %arg9: memref<157x128xi32, #tpu.memory_space<vmem>>, %arg10: memref<157x128xi32, #tpu.memory_space<vmem>>, %arg11: memref<8x128x32xf32, #tpu.memory_space<vmem>>, %arg12: memref<10016x32xf32, #tpu.memory_space<vmem_shared>>, %arg13: memref<10016x32xf32, #tpu.memory_space<vmem_shared>>, %arg14: memref<!tpu.dma_semaphore, #tpu.memory_space<semaphore_mem>>, %arg15: memref<!tpu.dma_semaphore, #tpu.memory_space<semaphore_mem>>, %arg16: memref<128x8xf32, #tpu.memory_space<vmem>>, %arg17: memref<10016x8xf32, #tpu.memory_space<vmem_shared>>, %arg18: memref<!tpu.dma_semaphore, #tpu.memory_space<semaphore_mem>>) attributes {dimension_semantics = [#tpu.dimension_semantics<core_parallel>, #tpu.dimension_semantics<subcore_parallel>], iteration_bounds = array<i64: 2, 16>, scalar_prefetch = 0 : i64, scratch_operands = 10 : i64, tpu.core_type = #tpu.core_type<sc_vector_subcore>, window_params = [{transform_indices = #map}, {transform_indices = #map1}, {transform_indices = #map}, {transform_indices = #map}, {transform_indices = #map}, {transform_indices = #map2}, {transform_indices = #map2}]} {
    %mul3A = arith.constant 626 : i32
    %mul3A_0 = arith.muli %arg1, %mul3A : i32
    %mul3A_1 = arith.constant 625 : i32
    %mul3A_2 = arith.muli %arg1, %mul3A_1 : i32
    %mul3A_3 = arith.constant 32 : i32
    %mul3A_4 = arith.muli %mul3A_3, %arg0 : i32
    %run_scoped3A = arith.constant 0 : i32
    "tpu.region"() ({
      %run_scoped3A_130 = tpu.sem_alloc : memref<!tpu.dma_semaphore, #tpu.memory_space<semaphore_mem>>
      %dma_start3A_131 = arith.constant 0 : i32
      %dma_start3A_132 = arith.constant 0 : i32
      %dma_start3A_133 = tpu.memref_slice %arg3[%run_scoped3A, %arg1, %dma_start3A_131, %dma_start3A_132] : memref<2x16x157x128xi32, #tpu.memory_space<hbm>> -> memref<1x1x157x128xi32, #tpu.memory_space<hbm>>
      %dma_start3A_134 = tpu.memref_squeeze %dma_start3A_133 : memref<1x1x157x128xi32, #tpu.memory_space<hbm>> -> memref<157x128xi32, #tpu.memory_space<hbm>>
      %dma_start3A_135 = arith.constant 0 : i32
      %dma_start3A_136 = arith.constant 0 : i32
      %dma_start3A_137 = tpu.memref_slice %arg3[%run_scoped3A, %arg1, %dma_start3A_135, %dma_start3A_136] : memref<2x16x157x128xi32, #tpu.memory_space<hbm>> -> memref<1x1x157x128xi32, #tpu.memory_space<hbm>>
      %dma_start3A_138 = tpu.memref_squeeze %dma_start3A_137 : memref<1x1x157x128xi32, #tpu.memory_space<hbm>> -> memref<157x128xi32, #tpu.memory_space<hbm>>
      tpu.enqueue_dma source(%dma_start3A_138 : memref<157x128xi32, #tpu.memory_space<hbm>>) target(%arg9 : memref<157x128xi32, #tpu.memory_space<vmem>>) target_semaphore(%run_scoped3A_130 : memref<!tpu.dma_semaphore, #tpu.memory_space<semaphore_mem>>)
      %dma_wait3A_139 = arith.constant 0 : i32
      %dma_wait3A_140 = arith.constant 0 : i32
      %dma_wait3A_141 = tpu.memref_slice %arg3[%run_scoped3A, %arg1, %dma_wait3A_139, %dma_wait3A_140] : memref<2x16x157x128xi32, #tpu.memory_space<hbm>> -> memref<1x1x157x128xi32, #tpu.memory_space<hbm>>
      %dma_wait3A_142 = tpu.memref_squeeze %dma_wait3A_141 : memref<1x1x157x128xi32, #tpu.memory_space<hbm>> -> memref<157x128xi32, #tpu.memory_space<hbm>>
      %dma_wait3A_143 = arith.constant 0 : i32
      %dma_wait3A_144 = arith.constant 0 : i32
      %dma_wait3A_145 = tpu.memref_slice %arg3[%run_scoped3A, %arg1, %dma_wait3A_143, %dma_wait3A_144] : memref<2x16x157x128xi32, #tpu.memory_space<hbm>> -> memref<1x1x157x128xi32, #tpu.memory_space<hbm>>
      %dma_wait3A_146 = tpu.memref_squeeze %dma_wait3A_145 : memref<1x1x157x128xi32, #tpu.memory_space<hbm>> -> memref<157x128xi32, #tpu.memory_space<hbm>>
      tpu.wait_dma2 semaphore(%run_scoped3A_130 : memref<!tpu.dma_semaphore, #tpu.memory_space<semaphore_mem>>) src(%dma_wait3A_146 : memref<157x128xi32, #tpu.memory_space<hbm>>) dst(%arg9 : memref<157x128xi32, #tpu.memory_space<vmem>>)
      tpu.yield
    }) : () -> ()
    %run_scoped3A_5 = arith.constant 1 : i32
    "tpu.region"() ({
      %run_scoped3A_130 = tpu.sem_alloc : memref<!tpu.dma_semaphore, #tpu.memory_space<semaphore_mem>>
      %dma_start3A_131 = arith.constant 0 : i32
      %dma_start3A_132 = arith.constant 0 : i32
      %dma_start3A_133 = tpu.memref_slice %arg3[%run_scoped3A_5, %arg1, %dma_start3A_131, %dma_start3A_132] : memref<2x16x157x128xi32, #tpu.memory_space<hbm>> -> memref<1x1x157x128xi32, #tpu.memory_space<hbm>>
      %dma_start3A_134 = tpu.memref_squeeze %dma_start3A_133 : memref<1x1x157x128xi32, #tpu.memory_space<hbm>> -> memref<157x128xi32, #tpu.memory_space<hbm>>
      %dma_start3A_135 = arith.constant 0 : i32
      %dma_start3A_136 = arith.constant 0 : i32
      %dma_start3A_137 = tpu.memref_slice %arg3[%run_scoped3A_5, %arg1, %dma_start3A_135, %dma_start3A_136] : memref<2x16x157x128xi32, #tpu.memory_space<hbm>> -> memref<1x1x157x128xi32, #tpu.memory_space<hbm>>
      %dma_start3A_138 = tpu.memref_squeeze %dma_start3A_137 : memref<1x1x157x128xi32, #tpu.memory_space<hbm>> -> memref<157x128xi32, #tpu.memory_space<hbm>>
      tpu.enqueue_dma source(%dma_start3A_138 : memref<157x128xi32, #tpu.memory_space<hbm>>) target(%arg10 : memref<157x128xi32, #tpu.memory_space<vmem>>) target_semaphore(%run_scoped3A_130 : memref<!tpu.dma_semaphore, #tpu.memory_space<semaphore_mem>>)
      %dma_wait3A_139 = arith.constant 0 : i32
      %dma_wait3A_140 = arith.constant 0 : i32
      %dma_wait3A_141 = tpu.memref_slice %arg3[%run_scoped3A_5, %arg1, %dma_wait3A_139, %dma_wait3A_140] : memref<2x16x157x128xi32, #tpu.memory_space<hbm>> -> memref<1x1x157x128xi32, #tpu.memory_space<hbm>>
      %dma_wait3A_142 = tpu.memref_squeeze %dma_wait3A_141 : memref<1x1x157x128xi32, #tpu.memory_space<hbm>> -> memref<157x128xi32, #tpu.memory_space<hbm>>
      %dma_wait3A_143 = arith.constant 0 : i32
      %dma_wait3A_144 = arith.constant 0 : i32
      %dma_wait3A_145 = tpu.memref_slice %arg3[%run_scoped3A_5, %arg1, %dma_wait3A_143, %dma_wait3A_144] : memref<2x16x157x128xi32, #tpu.memory_space<hbm>> -> memref<1x1x157x128xi32, #tpu.memory_space<hbm>>
      %dma_wait3A_146 = tpu.memref_squeeze %dma_wait3A_145 : memref<1x1x157x128xi32, #tpu.memory_space<hbm>> -> memref<157x128xi32, #tpu.memory_space<hbm>>
      tpu.wait_dma2 semaphore(%run_scoped3A_130 : memref<!tpu.dma_semaphore, #tpu.memory_space<semaphore_mem>>) src(%dma_wait3A_146 : memref<157x128xi32, #tpu.memory_space<hbm>>) dst(%arg10 : memref<157x128xi32, #tpu.memory_space<vmem>>)
      tpu.yield
    }) : () -> ()
    "tpu.region"() ({
      %run_scoped3A_130 = tpu.sem_alloc : memref<!tpu.dma_semaphore, #tpu.memory_space<semaphore_mem>>
      %dma_start3A_131 = arith.constant 0 : i32
      %dma_start3A_132 = tpu.memref_slice %arg12[%mul3A_2, %dma_start3A_131] : memref<10016x32xf32, #tpu.memory_space<vmem_shared>> -> memref<625x32xf32, #tpu.memory_space<vmem_shared>>
      %dma_start3A_133 = tpu.memref_slice %arg2[%mul3A_2, %mul3A_4] : memref<10000x128xf32, #tpu.memory_space<hbm>> -> memref<625x32xf32, #tpu.memory_space<hbm>>
      tpu.enqueue_dma source(%dma_start3A_133 : memref<625x32xf32, #tpu.memory_space<hbm>>) target(%dma_start3A_132 : memref<625x32xf32, #tpu.memory_space<vmem_shared>>) target_semaphore(%run_scoped3A_130 : memref<!tpu.dma_semaphore, #tpu.memory_space<semaphore_mem>>)
      %dma_wait3A_134 = arith.constant 0 : i32
      %dma_wait3A_135 = tpu.memref_slice %arg12[%mul3A_2, %dma_wait3A_134] : memref<10016x32xf32, #tpu.memory_space<vmem_shared>> -> memref<625x32xf32, #tpu.memory_space<vmem_shared>>
      %dma_wait3A_136 = tpu.memref_slice %arg2[%mul3A_2, %mul3A_4] : memref<10000x128xf32, #tpu.memory_space<hbm>> -> memref<625x32xf32, #tpu.memory_space<hbm>>
      tpu.wait_dma2 semaphore(%run_scoped3A_130 : memref<!tpu.dma_semaphore, #tpu.memory_space<semaphore_mem>>) src(%dma_wait3A_136 : memref<625x32xf32, #tpu.memory_space<hbm>>) dst(%dma_wait3A_135 : memref<625x32xf32, #tpu.memory_space<vmem_shared>>)
      tpu.yield
    }) : () -> ()
    "tpu.region"() ({
      %run_scoped3A_130 = tpu.sem_alloc : memref<!tpu.dma_semaphore, #tpu.memory_space<semaphore_mem>>
      %dma_start3A_131 = arith.constant 0 : i32
      %dma_start3A_132 = tpu.memref_slice %arg13[%mul3A_0, %dma_start3A_131] : memref<10016x32xf32, #tpu.memory_space<vmem_shared>> -> memref<626x32xf32, #tpu.memory_space<vmem_shared>>
      %dma_start3A_133 = arith.constant 0 : i32
      %dma_start3A_134 = tpu.memref_slice %arg4[%mul3A_0, %dma_start3A_133] : memref<10016x32xf32, #tpu.memory_space<hbm>> -> memref<626x32xf32, #tpu.memory_space<hbm>>
      tpu.enqueue_dma source(%dma_start3A_134 : memref<626x32xf32, #tpu.memory_space<hbm>>) target(%dma_start3A_132 : memref<626x32xf32, #tpu.memory_space<vmem_shared>>) target_semaphore(%run_scoped3A_130 : memref<!tpu.dma_semaphore, #tpu.memory_space<semaphore_mem>>)
      %dma_wait3A_135 = arith.constant 0 : i32
      %dma_wait3A_136 = tpu.memref_slice %arg13[%mul3A_0, %dma_wait3A_135] : memref<10016x32xf32, #tpu.memory_space<vmem_shared>> -> memref<626x32xf32, #tpu.memory_space<vmem_shared>>
      %dma_wait3A_137 = arith.constant 0 : i32
      %dma_wait3A_138 = tpu.memref_slice %arg4[%mul3A_0, %dma_wait3A_137] : memref<10016x32xf32, #tpu.memory_space<hbm>> -> memref<626x32xf32, #tpu.memory_space<hbm>>
      tpu.wait_dma2 semaphore(%run_scoped3A_130 : memref<!tpu.dma_semaphore, #tpu.memory_space<semaphore_mem>>) src(%dma_wait3A_138 : memref<626x32xf32, #tpu.memory_space<hbm>>) dst(%dma_wait3A_136 : memref<626x32xf32, #tpu.memory_space<vmem_shared>>)
      tpu.yield
    }) : () -> ()
    "tpu.region"() ({
      %run_scoped3A_130 = tpu.sem_alloc : memref<!tpu.dma_semaphore, #tpu.memory_space<semaphore_mem>>
      tpu.enqueue_dma source(%arg5 : memref<128x8xf32, #tpu.memory_space<hbm>>) target(%arg16 : memref<128x8xf32, #tpu.memory_space<vmem>>) target_semaphore(%run_scoped3A_130 : memref<!tpu.dma_semaphore, #tpu.memory_space<semaphore_mem>>)
      tpu.wait_dma2 semaphore(%run_scoped3A_130 : memref<!tpu.dma_semaphore, #tpu.memory_space<semaphore_mem>>) src(%arg5 : memref<128x8xf32, #tpu.memory_space<hbm>>) dst(%arg16 : memref<128x8xf32, #tpu.memory_space<vmem>>)
      tpu.yield
    }) : () -> ()
    "tpu.region"() ({
      %run_scoped3A_130 = tpu.sem_alloc : memref<!tpu.dma_semaphore, #tpu.memory_space<semaphore_mem>>
      %dma_start3A_131 = arith.constant 0 : i32
      %dma_start3A_132 = tpu.memref_slice %arg17[%mul3A_0, %dma_start3A_131] : memref<10016x8xf32, #tpu.memory_space<vmem_shared>> -> memref<626x8xf32, #tpu.memory_space<vmem_shared>>
      %dma_start3A_133 = arith.constant 0 : i32
      %dma_start3A_134 = tpu.memref_slice %arg6[%mul3A_0, %dma_start3A_133] : memref<10016x8xf32, #tpu.memory_space<hbm>> -> memref<626x8xf32, #tpu.memory_space<hbm>>
      tpu.enqueue_dma source(%dma_start3A_134 : memref<626x8xf32, #tpu.memory_space<hbm>>) target(%dma_start3A_132 : memref<626x8xf32, #tpu.memory_space<vmem_shared>>) target_semaphore(%run_scoped3A_130 : memref<!tpu.dma_semaphore, #tpu.memory_space<semaphore_mem>>)
      %dma_wait3A_135 = arith.constant 0 : i32
      %dma_wait3A_136 = tpu.memref_slice %arg17[%mul3A_0, %dma_wait3A_135] : memref<10016x8xf32, #tpu.memory_space<vmem_shared>> -> memref<626x8xf32, #tpu.memory_space<vmem_shared>>
      %dma_wait3A_137 = arith.constant 0 : i32
      %dma_wait3A_138 = tpu.memref_slice %arg6[%mul3A_0, %dma_wait3A_137] : memref<10016x8xf32, #tpu.memory_space<hbm>> -> memref<626x8xf32, #tpu.memory_space<hbm>>
      tpu.wait_dma2 semaphore(%run_scoped3A_130 : memref<!tpu.dma_semaphore, #tpu.memory_space<semaphore_mem>>) src(%dma_wait3A_138 : memref<626x8xf32, #tpu.memory_space<hbm>>) dst(%dma_wait3A_136 : memref<626x8xf32, #tpu.memory_space<vmem_shared>>)
      tpu.yield
    }) : () -> ()
    %barrier3A = arith.constant 0 : index
    tpu.barrier barrier_id(%barrier3A)
    %dma_start3A = arith.constant 0 : i32
    %dma_start3A_6 = arith.constant 0 : i32
    %dma_start3A_7 = arith.constant 0 : i32
    %dma_start3A_8 = arith.constant 0 : i32
    %dma_start3A_9 = tpu.memref_slice %arg11[%dma_start3A_6, %dma_start3A_7, %dma_start3A_8] : memref<8x128x32xf32, #tpu.memory_space<vmem>> -> memref<1x128x32xf32, #tpu.memory_space<vmem>>
    %dma_start3A_10 = tpu.memref_squeeze %dma_start3A_9 : memref<1x128x32xf32, #tpu.memory_space<vmem>> -> memref<128x32xf32, #tpu.memory_space<vmem>>
    %dma_start3A_11 = arith.constant 0 : i32
    %dma_start3A_12 = tpu.memref_slice %arg9[%dma_start3A, %dma_start3A_11] : memref<157x128xi32, #tpu.memory_space<vmem>> -> memref<1x128xi32, #tpu.memory_space<vmem>>
    %dma_start3A_13 = tpu.memref_squeeze %dma_start3A_12 : memref<1x128xi32, #tpu.memory_space<vmem>> -> memref<128xi32, #tpu.memory_space<vmem>>
    %dma_start3A_14 = arith.constant 0 : i32
    %dma_start3A_15 = arith.constant 0 : i32
    %dma_start3A_16 = tpu.memref_slice %arg12[%dma_start3A_14, %dma_start3A_15] : memref<10016x32xf32, #tpu.memory_space<vmem_shared>> -> memref<10016x32xf32, #tpu.memory_space<vmem_shared>>
    tpu.enqueue_indirect_dma source(%dma_start3A_16 : memref<10016x32xf32, #tpu.memory_space<vmem_shared>>) target(%dma_start3A_10 : memref<128x32xf32, #tpu.memory_space<vmem>>) offsets(%dma_start3A_13 : memref<128xi32, #tpu.memory_space<vmem>>) semaphore(%arg14 : memref<!tpu.dma_semaphore, #tpu.memory_space<semaphore_mem>>)
    %dma_start3A_17 = arith.constant 1 : i32
    %dma_start3A_18 = arith.constant 1 : i32
    %dma_start3A_19 = arith.constant 0 : i32
    %dma_start3A_20 = arith.constant 0 : i32
    %dma_start3A_21 = tpu.memref_slice %arg11[%dma_start3A_18, %dma_start3A_19, %dma_start3A_20] : memref<8x128x32xf32, #tpu.memory_space<vmem>> -> memref<1x128x32xf32, #tpu.memory_space<vmem>>
    %dma_start3A_22 = tpu.memref_squeeze %dma_start3A_21 : memref<1x128x32xf32, #tpu.memory_space<vmem>> -> memref<128x32xf32, #tpu.memory_space<vmem>>
    %dma_start3A_23 = arith.constant 0 : i32
    %dma_start3A_24 = tpu.memref_slice %arg9[%dma_start3A_17, %dma_start3A_23] : memref<157x128xi32, #tpu.memory_space<vmem>> -> memref<1x128xi32, #tpu.memory_space<vmem>>
    %dma_start3A_25 = tpu.memref_squeeze %dma_start3A_24 : memref<1x128xi32, #tpu.memory_space<vmem>> -> memref<128xi32, #tpu.memory_space<vmem>>
    %dma_start3A_26 = arith.constant 0 : i32
    %dma_start3A_27 = arith.constant 0 : i32
    %dma_start3A_28 = tpu.memref_slice %arg12[%dma_start3A_26, %dma_start3A_27] : memref<10016x32xf32, #tpu.memory_space<vmem_shared>> -> memref<10016x32xf32, #tpu.memory_space<vmem_shared>>
    tpu.enqueue_indirect_dma source(%dma_start3A_28 : memref<10016x32xf32, #tpu.memory_space<vmem_shared>>) target(%dma_start3A_22 : memref<128x32xf32, #tpu.memory_space<vmem>>) offsets(%dma_start3A_25 : memref<128xi32, #tpu.memory_space<vmem>>) semaphore(%arg14 : memref<!tpu.dma_semaphore, #tpu.memory_space<semaphore_mem>>)
    %dma_start3A_29 = arith.constant 2 : i32
    %dma_start3A_30 = arith.constant 2 : i32
    %dma_start3A_31 = arith.constant 0 : i32
    %dma_start3A_32 = arith.constant 0 : i32
    %dma_start3A_33 = tpu.memref_slice %arg11[%dma_start3A_30, %dma_start3A_31, %dma_start3A_32] : memref<8x128x32xf32, #tpu.memory_space<vmem>> -> memref<1x128x32xf32, #tpu.memory_space<vmem>>
    %dma_start3A_34 = tpu.memref_squeeze %dma_start3A_33 : memref<1x128x32xf32, #tpu.memory_space<vmem>> -> memref<128x32xf32, #tpu.memory_space<vmem>>
    %dma_start3A_35 = arith.constant 0 : i32
    %dma_start3A_36 = tpu.memref_slice %arg9[%dma_start3A_29, %dma_start3A_35] : memref<157x128xi32, #tpu.memory_space<vmem>> -> memref<1x128xi32, #tpu.memory_space<vmem>>
    %dma_start3A_37 = tpu.memref_squeeze %dma_start3A_36 : memref<1x128xi32, #tpu.memory_space<vmem>> -> memref<128xi32, #tpu.memory_space<vmem>>
    %dma_start3A_38 = arith.constant 0 : i32
    %dma_start3A_39 = arith.constant 0 : i32
    %dma_start3A_40 = tpu.memref_slice %arg12[%dma_start3A_38, %dma_start3A_39] : memref<10016x32xf32, #tpu.memory_space<vmem_shared>> -> memref<10016x32xf32, #tpu.memory_space<vmem_shared>>
    tpu.enqueue_indirect_dma source(%dma_start3A_40 : memref<10016x32xf32, #tpu.memory_space<vmem_shared>>) target(%dma_start3A_34 : memref<128x32xf32, #tpu.memory_space<vmem>>) offsets(%dma_start3A_37 : memref<128xi32, #tpu.memory_space<vmem>>) semaphore(%arg14 : memref<!tpu.dma_semaphore, #tpu.memory_space<semaphore_mem>>)
    %dma_start3A_41 = arith.constant 3 : i32
    %dma_start3A_42 = arith.constant 3 : i32
    %dma_start3A_43 = arith.constant 0 : i32
    %dma_start3A_44 = arith.constant 0 : i32
    %dma_start3A_45 = tpu.memref_slice %arg11[%dma_start3A_42, %dma_start3A_43, %dma_start3A_44] : memref<8x128x32xf32, #tpu.memory_space<vmem>> -> memref<1x128x32xf32, #tpu.memory_space<vmem>>
    %dma_start3A_46 = tpu.memref_squeeze %dma_start3A_45 : memref<1x128x32xf32, #tpu.memory_space<vmem>> -> memref<128x32xf32, #tpu.memory_space<vmem>>
    %dma_start3A_47 = arith.constant 0 : i32
    %dma_start3A_48 = tpu.memref_slice %arg9[%dma_start3A_41, %dma_start3A_47] : memref<157x128xi32, #tpu.memory_space<vmem>> -> memref<1x128xi32, #tpu.memory_space<vmem>>
    %dma_start3A_49 = tpu.memref_squeeze %dma_start3A_48 : memref<1x128xi32, #tpu.memory_space<vmem>> -> memref<128xi32, #tpu.memory_space<vmem>>
    %dma_start3A_50 = arith.constant 0 : i32
    %dma_start3A_51 = arith.constant 0 : i32
    %dma_start3A_52 = tpu.memref_slice %arg12[%dma_start3A_50, %dma_start3A_51] : memref<10016x32xf32, #tpu.memory_space<vmem_shared>> -> memref<10016x32xf32, #tpu.memory_space<vmem_shared>>
    tpu.enqueue_indirect_dma source(%dma_start3A_52 : memref<10016x32xf32, #tpu.memory_space<vmem_shared>>) target(%dma_start3A_46 : memref<128x32xf32, #tpu.memory_space<vmem>>) offsets(%dma_start3A_49 : memref<128xi32, #tpu.memory_space<vmem>>) semaphore(%arg14 : memref<!tpu.dma_semaphore, #tpu.memory_space<semaphore_mem>>)
    %scan3A = arith.constant 0 : i32
    %scan3A_53 = arith.constant 0 : i32
    %scan3A_54 = arith.constant 157 : i32
    %scan3A_55 = arith.addi %scan3A_53, %scan3A_54 : i32
    %scan3A_56 = arith.constant 1 : i32
    scf.for %scan3A_130 = %scan3A_53 to %scan3A_55 step %scan3A_56  : i32 {
      %rem3A_131 = arith.constant 8 : i32
      %rem3A_132 = arith.remsi %scan3A_130, %rem3A_131 : i32
      %ge3A = arith.constant 4 : i32
      %ge3A_133 = arith.cmpi sge, %scan3A_130, %ge3A : i32
      %convert_element_type3A_134 = arith.extui %ge3A_133 : i1 to i32
      %cond3A_135 = arith.constant 0 : i32
      %cond3A_136 = arith.cmpi ne, %convert_element_type3A_134, %cond3A_135 : i32
      scf.if %cond3A_136 {
        %sub3A = arith.constant 4 : i32
        %sub3A_168 = arith.subi %scan3A_130, %sub3A : i32
        %rem3A_169 = arith.constant 8 : i32
        %rem3A_170 = arith.remsi %sub3A_168, %rem3A_169 : i32
        %dma_wait3A_171 = arith.constant 0 : i32
        %dma_wait3A_172 = arith.constant 0 : i32
        %dma_wait3A_173 = tpu.memref_slice %arg11[%rem3A_170, %dma_wait3A_171, %dma_wait3A_172] : memref<8x128x32xf32, #tpu.memory_space<vmem>> -> memref<1x128x32xf32, #tpu.memory_space<vmem>>
        %dma_wait3A_174 = tpu.memref_squeeze %dma_wait3A_173 : memref<1x128x32xf32, #tpu.memory_space<vmem>> -> memref<128x32xf32, #tpu.memory_space<vmem>>
        %dma_wait3A_175 = arith.constant 0 : i32
        %dma_wait3A_176 = tpu.memref_slice %arg10[%sub3A_168, %dma_wait3A_175] : memref<157x128xi32, #tpu.memory_space<vmem>> -> memref<1x128xi32, #tpu.memory_space<vmem>>
        %dma_wait3A_177 = tpu.memref_squeeze %dma_wait3A_176 : memref<1x128xi32, #tpu.memory_space<vmem>> -> memref<128xi32, #tpu.memory_space<vmem>>
        %dma_wait3A_178 = arith.constant 0 : i32
        %dma_wait3A_179 = arith.constant 0 : i32
        %dma_wait3A_180 = tpu.memref_slice %arg13[%dma_wait3A_178, %dma_wait3A_179] : memref<10016x32xf32, #tpu.memory_space<vmem_shared>> -> memref<10016x32xf32, #tpu.memory_space<vmem_shared>>
        tpu.wait_indirect_dma semaphore(%arg15 : memref<!tpu.dma_semaphore, #tpu.memory_space<semaphore_mem>>) src(%dma_wait3A_174 : memref<128x32xf32, #tpu.memory_space<vmem>>) dst(%dma_wait3A_180 : memref<10016x32xf32, #tpu.memory_space<vmem_shared>>)
        %rem3A_181 = arith.constant 2 : i32
        %rem3A_182 = arith.remsi %sub3A_168, %rem3A_181 : i32
        %eq3A_183 = arith.cmpi eq, %rem3A_182, %arg0 : i32
        %convert_element_type3A_184 = arith.extui %eq3A_183 : i1 to i32
        %cond3A_185 = arith.constant 0 : i32
        %cond3A_186 = arith.cmpi ne, %convert_element_type3A_184, %cond3A_185 : i32
        scf.if %cond3A_186 {
          %dma_wait3A_187 = arith.constant 0 : i32
          %dma_wait3A_188 = tpu.memref_slice %arg10[%sub3A_168, %dma_wait3A_187] : memref<157x128xi32, #tpu.memory_space<vmem>> -> memref<1x128xi32, #tpu.memory_space<vmem>>
          %dma_wait3A_189 = tpu.memref_squeeze %dma_wait3A_188 : memref<1x128xi32, #tpu.memory_space<vmem>> -> memref<128xi32, #tpu.memory_space<vmem>>
          %dma_wait3A_190 = arith.constant 0 : i32
          %dma_wait3A_191 = arith.constant 0 : i32
          %dma_wait3A_192 = tpu.memref_slice %arg17[%dma_wait3A_190, %dma_wait3A_191] : memref<10016x8xf32, #tpu.memory_space<vmem_shared>> -> memref<10016x8xf32, #tpu.memory_space<vmem_shared>>
          tpu.wait_indirect_dma semaphore(%arg18 : memref<!tpu.dma_semaphore, #tpu.memory_space<semaphore_mem>>) src(%arg16 : memref<128x8xf32, #tpu.memory_space<vmem>>) dst(%dma_wait3A_192 : memref<10016x8xf32, #tpu.memory_space<vmem_shared>>)
        } else {
        }
      } else {
      }
      %add3A = arith.constant 4 : i32
      %add3A_137 = arith.addi %scan3A_130, %add3A : i32
      %lt3A = arith.constant 157 : i32
      %lt3A_138 = arith.cmpi slt, %add3A_137, %lt3A : i32
      %convert_element_type3A_139 = arith.extui %lt3A_138 : i1 to i32
      %cond3A_140 = arith.constant 0 : i32
      %cond3A_141 = arith.cmpi ne, %convert_element_type3A_139, %cond3A_140 : i32
      scf.if %cond3A_141 {
        %add3A_168 = arith.constant 4 : i32
        %add3A_169 = arith.addi %scan3A_130, %add3A_168 : i32
        %rem3A_170 = arith.constant 8 : i32
        %rem3A_171 = arith.remsi %add3A_169, %rem3A_170 : i32
        %dma_start3A_172 = arith.constant 0 : i32
        %dma_start3A_173 = arith.constant 0 : i32
        %dma_start3A_174 = tpu.memref_slice %arg11[%rem3A_171, %dma_start3A_172, %dma_start3A_173] : memref<8x128x32xf32, #tpu.memory_space<vmem>> -> memref<1x128x32xf32, #tpu.memory_space<vmem>>
        %dma_start3A_175 = tpu.memref_squeeze %dma_start3A_174 : memref<1x128x32xf32, #tpu.memory_space<vmem>> -> memref<128x32xf32, #tpu.memory_space<vmem>>
        %dma_start3A_176 = arith.constant 0 : i32
        %dma_start3A_177 = tpu.memref_slice %arg9[%add3A_169, %dma_start3A_176] : memref<157x128xi32, #tpu.memory_space<vmem>> -> memref<1x128xi32, #tpu.memory_space<vmem>>
        %dma_start3A_178 = tpu.memref_squeeze %dma_start3A_177 : memref<1x128xi32, #tpu.memory_space<vmem>> -> memref<128xi32, #tpu.memory_space<vmem>>
        %dma_start3A_179 = arith.constant 0 : i32
        %dma_start3A_180 = arith.constant 0 : i32
        %dma_start3A_181 = tpu.memref_slice %arg12[%dma_start3A_179, %dma_start3A_180] : memref<10016x32xf32, #tpu.memory_space<vmem_shared>> -> memref<10016x32xf32, #tpu.memory_space<vmem_shared>>
        tpu.enqueue_indirect_dma source(%dma_start3A_181 : memref<10016x32xf32, #tpu.memory_space<vmem_shared>>) target(%dma_start3A_175 : memref<128x32xf32, #tpu.memory_space<vmem>>) offsets(%dma_start3A_178 : memref<128xi32, #tpu.memory_space<vmem>>) semaphore(%arg14 : memref<!tpu.dma_semaphore, #tpu.memory_space<semaphore_mem>>)
      } else {
      }
      %dma_wait3A_142 = arith.constant 0 : i32
      %dma_wait3A_143 = arith.constant 0 : i32
      %dma_wait3A_144 = tpu.memref_slice %arg11[%rem3A_132, %dma_wait3A_142, %dma_wait3A_143] : memref<8x128x32xf32, #tpu.memory_space<vmem>> -> memref<1x128x32xf32, #tpu.memory_space<vmem>>
      %dma_wait3A_145 = tpu.memref_squeeze %dma_wait3A_144 : memref<1x128x32xf32, #tpu.memory_space<vmem>> -> memref<128x32xf32, #tpu.memory_space<vmem>>
      %dma_wait3A_146 = arith.constant 0 : i32
      %dma_wait3A_147 = tpu.memref_slice %arg9[%scan3A_130, %dma_wait3A_146] : memref<157x128xi32, #tpu.memory_space<vmem>> -> memref<1x128xi32, #tpu.memory_space<vmem>>
      %dma_wait3A_148 = tpu.memref_squeeze %dma_wait3A_147 : memref<1x128xi32, #tpu.memory_space<vmem>> -> memref<128xi32, #tpu.memory_space<vmem>>
      %dma_wait3A_149 = arith.constant 0 : i32
      %dma_wait3A_150 = arith.constant 0 : i32
      %dma_wait3A_151 = tpu.memref_slice %arg12[%dma_wait3A_149, %dma_wait3A_150] : memref<10016x32xf32, #tpu.memory_space<vmem_shared>> -> memref<10016x32xf32, #tpu.memory_space<vmem_shared>>
      tpu.wait_indirect_dma semaphore(%arg14 : memref<!tpu.dma_semaphore, #tpu.memory_space<semaphore_mem>>) src(%dma_wait3A_151 : memref<10016x32xf32, #tpu.memory_space<vmem_shared>>) dst(%dma_wait3A_145 : memref<128x32xf32, #tpu.memory_space<vmem>>)
      %dma_start3A_152 = arith.constant 0 : i32
      %dma_start3A_153 = arith.constant 0 : i32
      %dma_start3A_154 = tpu.memref_slice %arg11[%rem3A_132, %dma_start3A_152, %dma_start3A_153] : memref<8x128x32xf32, #tpu.memory_space<vmem>> -> memref<1x128x32xf32, #tpu.memory_space<vmem>>
      %dma_start3A_155 = tpu.memref_squeeze %dma_start3A_154 : memref<1x128x32xf32, #tpu.memory_space<vmem>> -> memref<128x32xf32, #tpu.memory_space<vmem>>
      %dma_start3A_156 = arith.constant 0 : i32
      %dma_start3A_157 = tpu.memref_slice %arg10[%scan3A_130, %dma_start3A_156] : memref<157x128xi32, #tpu.memory_space<vmem>> -> memref<1x128xi32, #tpu.memory_space<vmem>>
      %dma_start3A_158 = tpu.memref_squeeze %dma_start3A_157 : memref<1x128xi32, #tpu.memory_space<vmem>> -> memref<128xi32, #tpu.memory_space<vmem>>
      %dma_start3A_159 = arith.constant 0 : i32
      %dma_start3A_160 = arith.constant 0 : i32
      %dma_start3A_161 = tpu.memref_slice %arg13[%dma_start3A_159, %dma_start3A_160] : memref<10016x32xf32, #tpu.memory_space<vmem_shared>> -> memref<10016x32xf32, #tpu.memory_space<vmem_shared>>
      tpu.enqueue_indirect_dma source(%dma_start3A_155 : memref<128x32xf32, #tpu.memory_space<vmem>>) target(%dma_start3A_161 : memref<10016x32xf32, #tpu.memory_space<vmem_shared>>) offsets(%dma_start3A_158 : memref<128xi32, #tpu.memory_space<vmem>>) semaphore(%arg15 : memref<!tpu.dma_semaphore, #tpu.memory_space<semaphore_mem>>) {add = true}
      %rem3A_162 = arith.constant 2 : i32
      %rem3A_163 = arith.remsi %scan3A_130, %rem3A_162 : i32
      %eq3A_164 = arith.cmpi eq, %rem3A_163, %arg0 : i32
      %convert_element_type3A_165 = arith.extui %eq3A_164 : i1 to i32
      %cond3A_166 = arith.constant 0 : i32
      %cond3A_167 = arith.cmpi ne, %convert_element_type3A_165, %cond3A_166 : i32
      scf.if %cond3A_167 {
        %dma_start3A_168 = arith.constant 0 : i32
        %dma_start3A_169 = tpu.memref_slice %arg10[%scan3A_130, %dma_start3A_168] : memref<157x128xi32, #tpu.memory_space<vmem>> -> memref<1x128xi32, #tpu.memory_space<vmem>>
        %dma_start3A_170 = tpu.memref_squeeze %dma_start3A_169 : memref<1x128xi32, #tpu.memory_space<vmem>> -> memref<128xi32, #tpu.memory_space<vmem>>
        %dma_start3A_171 = arith.constant 0 : i32
        %dma_start3A_172 = arith.constant 0 : i32
        %dma_start3A_173 = tpu.memref_slice %arg17[%dma_start3A_171, %dma_start3A_172] : memref<10016x8xf32, #tpu.memory_space<vmem_shared>> -> memref<10016x8xf32, #tpu.memory_space<vmem_shared>>
        tpu.enqueue_indirect_dma source(%arg16 : memref<128x8xf32, #tpu.memory_space<vmem>>) target(%dma_start3A_173 : memref<10016x8xf32, #tpu.memory_space<vmem_shared>>) offsets(%dma_start3A_170 : memref<128xi32, #tpu.memory_space<vmem>>) semaphore(%arg18 : memref<!tpu.dma_semaphore, #tpu.memory_space<semaphore_mem>>) {add = true}
      } else {
      }
    }
    %scan3A_57 = arith.constant 157 : i32
    %dma_wait3A = arith.constant 1 : i32
    %dma_wait3A_58 = arith.constant 153 : i32
    %dma_wait3A_59 = arith.constant 0 : i32
    %dma_wait3A_60 = arith.constant 0 : i32
    %dma_wait3A_61 = tpu.memref_slice %arg11[%dma_wait3A, %dma_wait3A_59, %dma_wait3A_60] : memref<8x128x32xf32, #tpu.memory_space<vmem>> -> memref<1x128x32xf32, #tpu.memory_space<vmem>>
    %dma_wait3A_62 = tpu.memref_squeeze %dma_wait3A_61 : memref<1x128x32xf32, #tpu.memory_space<vmem>> -> memref<128x32xf32, #tpu.memory_space<vmem>>
    %dma_wait3A_63 = arith.constant 0 : i32
    %dma_wait3A_64 = tpu.memref_slice %arg10[%dma_wait3A_58, %dma_wait3A_63] : memref<157x128xi32, #tpu.memory_space<vmem>> -> memref<1x128xi32, #tpu.memory_space<vmem>>
    %dma_wait3A_65 = tpu.memref_squeeze %dma_wait3A_64 : memref<1x128xi32, #tpu.memory_space<vmem>> -> memref<128xi32, #tpu.memory_space<vmem>>
    %dma_wait3A_66 = arith.constant 0 : i32
    %dma_wait3A_67 = arith.constant 0 : i32
    %dma_wait3A_68 = tpu.memref_slice %arg13[%dma_wait3A_66, %dma_wait3A_67] : memref<10016x32xf32, #tpu.memory_space<vmem_shared>> -> memref<10016x32xf32, #tpu.memory_space<vmem_shared>>
    tpu.wait_indirect_dma semaphore(%arg15 : memref<!tpu.dma_semaphore, #tpu.memory_space<semaphore_mem>>) src(%dma_wait3A_62 : memref<128x32xf32, #tpu.memory_space<vmem>>) dst(%dma_wait3A_68 : memref<10016x32xf32, #tpu.memory_space<vmem_shared>>)
    %rem3A = arith.constant 153 : i32
    %rem3A_69 = arith.constant 2 : i32
    %rem3A_70 = arith.remsi %rem3A, %rem3A_69 : i32
    %eq3A = arith.cmpi eq, %rem3A_70, %arg0 : i32
    %convert_element_type3A = arith.extui %eq3A : i1 to i32
    %cond3A = arith.constant 0 : i32
    %cond3A_71 = arith.cmpi ne, %convert_element_type3A, %cond3A : i32
    scf.if %cond3A_71 {
      %dma_wait3A_130 = arith.constant 153 : i32
      %dma_wait3A_131 = arith.constant 0 : i32
      %dma_wait3A_132 = tpu.memref_slice %arg10[%dma_wait3A_130, %dma_wait3A_131] : memref<157x128xi32, #tpu.memory_space<vmem>> -> memref<1x128xi32, #tpu.memory_space<vmem>>
      %dma_wait3A_133 = tpu.memref_squeeze %dma_wait3A_132 : memref<1x128xi32, #tpu.memory_space<vmem>> -> memref<128xi32, #tpu.memory_space<vmem>>
      %dma_wait3A_134 = arith.constant 0 : i32
      %dma_wait3A_135 = arith.constant 0 : i32
      %dma_wait3A_136 = tpu.memref_slice %arg17[%dma_wait3A_134, %dma_wait3A_135] : memref<10016x8xf32, #tpu.memory_space<vmem_shared>> -> memref<10016x8xf32, #tpu.memory_space<vmem_shared>>
      tpu.wait_indirect_dma semaphore(%arg18 : memref<!tpu.dma_semaphore, #tpu.memory_space<semaphore_mem>>) src(%arg16 : memref<128x8xf32, #tpu.memory_space<vmem>>) dst(%dma_wait3A_136 : memref<10016x8xf32, #tpu.memory_space<vmem_shared>>)
    } else {
    }
    %dma_wait3A_72 = arith.constant 2 : i32
    %dma_wait3A_73 = arith.constant 154 : i32
    %dma_wait3A_74 = arith.constant 0 : i32
    %dma_wait3A_75 = arith.constant 0 : i32
    %dma_wait3A_76 = tpu.memref_slice %arg11[%dma_wait3A_72, %dma_wait3A_74, %dma_wait3A_75] : memref<8x128x32xf32, #tpu.memory_space<vmem>> -> memref<1x128x32xf32, #tpu.memory_space<vmem>>
    %dma_wait3A_77 = tpu.memref_squeeze %dma_wait3A_76 : memref<1x128x32xf32, #tpu.memory_space<vmem>> -> memref<128x32xf32, #tpu.memory_space<vmem>>
    %dma_wait3A_78 = arith.constant 0 : i32
    %dma_wait3A_79 = tpu.memref_slice %arg10[%dma_wait3A_73, %dma_wait3A_78] : memref<157x128xi32, #tpu.memory_space<vmem>> -> memref<1x128xi32, #tpu.memory_space<vmem>>
    %dma_wait3A_80 = tpu.memref_squeeze %dma_wait3A_79 : memref<1x128xi32, #tpu.memory_space<vmem>> -> memref<128xi32, #tpu.memory_space<vmem>>
    %dma_wait3A_81 = arith.constant 0 : i32
    %dma_wait3A_82 = arith.constant 0 : i32
    %dma_wait3A_83 = tpu.memref_slice %arg13[%dma_wait3A_81, %dma_wait3A_82] : memref<10016x32xf32, #tpu.memory_space<vmem_shared>> -> memref<10016x32xf32, #tpu.memory_space<vmem_shared>>
    tpu.wait_indirect_dma semaphore(%arg15 : memref<!tpu.dma_semaphore, #tpu.memory_space<semaphore_mem>>) src(%dma_wait3A_77 : memref<128x32xf32, #tpu.memory_space<vmem>>) dst(%dma_wait3A_83 : memref<10016x32xf32, #tpu.memory_space<vmem_shared>>)
    %rem3A_84 = arith.constant 154 : i32
    %rem3A_85 = arith.constant 2 : i32
    %rem3A_86 = arith.remsi %rem3A_84, %rem3A_85 : i32
    %eq3A_87 = arith.cmpi eq, %rem3A_86, %arg0 : i32
    %convert_element_type3A_88 = arith.extui %eq3A_87 : i1 to i32
    %cond3A_89 = arith.constant 0 : i32
    %cond3A_90 = arith.cmpi ne, %convert_element_type3A_88, %cond3A_89 : i32
    scf.if %cond3A_90 {
      %dma_wait3A_130 = arith.constant 154 : i32
      %dma_wait3A_131 = arith.constant 0 : i32
      %dma_wait3A_132 = tpu.memref_slice %arg10[%dma_wait3A_130, %dma_wait3A_131] : memref<157x128xi32, #tpu.memory_space<vmem>> -> memref<1x128xi32, #tpu.memory_space<vmem>>
      %dma_wait3A_133 = tpu.memref_squeeze %dma_wait3A_132 : memref<1x128xi32, #tpu.memory_space<vmem>> -> memref<128xi32, #tpu.memory_space<vmem>>
      %dma_wait3A_134 = arith.constant 0 : i32
      %dma_wait3A_135 = arith.constant 0 : i32
      %dma_wait3A_136 = tpu.memref_slice %arg17[%dma_wait3A_134, %dma_wait3A_135] : memref<10016x8xf32, #tpu.memory_space<vmem_shared>> -> memref<10016x8xf32, #tpu.memory_space<vmem_shared>>
      tpu.wait_indirect_dma semaphore(%arg18 : memref<!tpu.dma_semaphore, #tpu.memory_space<semaphore_mem>>) src(%arg16 : memref<128x8xf32, #tpu.memory_space<vmem>>) dst(%dma_wait3A_136 : memref<10016x8xf32, #tpu.memory_space<vmem_shared>>)
    } else {
    }
    %dma_wait3A_91 = arith.constant 3 : i32
    %dma_wait3A_92 = arith.constant 155 : i32
    %dma_wait3A_93 = arith.constant 0 : i32
    %dma_wait3A_94 = arith.constant 0 : i32
    %dma_wait3A_95 = tpu.memref_slice %arg11[%dma_wait3A_91, %dma_wait3A_93, %dma_wait3A_94] : memref<8x128x32xf32, #tpu.memory_space<vmem>> -> memref<1x128x32xf32, #tpu.memory_space<vmem>>
    %dma_wait3A_96 = tpu.memref_squeeze %dma_wait3A_95 : memref<1x128x32xf32, #tpu.memory_space<vmem>> -> memref<128x32xf32, #tpu.memory_space<vmem>>
    %dma_wait3A_97 = arith.constant 0 : i32
    %dma_wait3A_98 = tpu.memref_slice %arg10[%dma_wait3A_92, %dma_wait3A_97] : memref<157x128xi32, #tpu.memory_space<vmem>> -> memref<1x128xi32, #tpu.memory_space<vmem>>
    %dma_wait3A_99 = tpu.memref_squeeze %dma_wait3A_98 : memref<1x128xi32, #tpu.memory_space<vmem>> -> memref<128xi32, #tpu.memory_space<vmem>>
    %dma_wait3A_100 = arith.constant 0 : i32
    %dma_wait3A_101 = arith.constant 0 : i32
    %dma_wait3A_102 = tpu.memref_slice %arg13[%dma_wait3A_100, %dma_wait3A_101] : memref<10016x32xf32, #tpu.memory_space<vmem_shared>> -> memref<10016x32xf32, #tpu.memory_space<vmem_shared>>
    tpu.wait_indirect_dma semaphore(%arg15 : memref<!tpu.dma_semaphore, #tpu.memory_space<semaphore_mem>>) src(%dma_wait3A_96 : memref<128x32xf32, #tpu.memory_space<vmem>>) dst(%dma_wait3A_102 : memref<10016x32xf32, #tpu.memory_space<vmem_shared>>)
    %rem3A_103 = arith.constant 155 : i32
    %rem3A_104 = arith.constant 2 : i32
    %rem3A_105 = arith.remsi %rem3A_103, %rem3A_104 : i32
    %eq3A_106 = arith.cmpi eq, %rem3A_105, %arg0 : i32
    %convert_element_type3A_107 = arith.extui %eq3A_106 : i1 to i32
    %cond3A_108 = arith.constant 0 : i32
    %cond3A_109 = arith.cmpi ne, %convert_element_type3A_107, %cond3A_108 : i32
    scf.if %cond3A_109 {
      %dma_wait3A_130 = arith.constant 155 : i32
      %dma_wait3A_131 = arith.constant 0 : i32
      %dma_wait3A_132 = tpu.memref_slice %arg10[%dma_wait3A_130, %dma_wait3A_131] : memref<157x128xi32, #tpu.memory_space<vmem>> -> memref<1x128xi32, #tpu.memory_space<vmem>>
      %dma_wait3A_133 = tpu.memref_squeeze %dma_wait3A_132 : memref<1x128xi32, #tpu.memory_space<vmem>> -> memref<128xi32, #tpu.memory_space<vmem>>
      %dma_wait3A_134 = arith.constant 0 : i32
      %dma_wait3A_135 = arith.constant 0 : i32
      %dma_wait3A_136 = tpu.memref_slice %arg17[%dma_wait3A_134, %dma_wait3A_135] : memref<10016x8xf32, #tpu.memory_space<vmem_shared>> -> memref<10016x8xf32, #tpu.memory_space<vmem_shared>>
      tpu.wait_indirect_dma semaphore(%arg18 : memref<!tpu.dma_semaphore, #tpu.memory_space<semaphore_mem>>) src(%arg16 : memref<128x8xf32, #tpu.memory_space<vmem>>) dst(%dma_wait3A_136 : memref<10016x8xf32, #tpu.memory_space<vmem_shared>>)
    } else {
    }
    %dma_wait3A_110 = arith.constant 4 : i32
    %dma_wait3A_111 = arith.constant 156 : i32
    %dma_wait3A_112 = arith.constant 0 : i32
    %dma_wait3A_113 = arith.constant 0 : i32
    %dma_wait3A_114 = tpu.memref_slice %arg11[%dma_wait3A_110, %dma_wait3A_112, %dma_wait3A_113] : memref<8x128x32xf32, #tpu.memory_space<vmem>> -> memref<1x128x32xf32, #tpu.memory_space<vmem>>
    %dma_wait3A_115 = tpu.memref_squeeze %dma_wait3A_114 : memref<1x128x32xf32, #tpu.memory_space<vmem>> -> memref<128x32xf32, #tpu.memory_space<vmem>>
    %dma_wait3A_116 = arith.constant 0 : i32
    %dma_wait3A_117 = tpu.memref_slice %arg10[%dma_wait3A_111, %dma_wait3A_116] : memref<157x128xi32, #tpu.memory_space<vmem>> -> memref<1x128xi32, #tpu.memory_space<vmem>>
    %dma_wait3A_118 = tpu.memref_squeeze %dma_wait3A_117 : memref<1x128xi32, #tpu.memory_space<vmem>> -> memref<128xi32, #tpu.memory_space<vmem>>
    %dma_wait3A_119 = arith.constant 0 : i32
    %dma_wait3A_120 = arith.constant 0 : i32
    %dma_wait3A_121 = tpu.memref_slice %arg13[%dma_wait3A_119, %dma_wait3A_120] : memref<10016x32xf32, #tpu.memory_space<vmem_shared>> -> memref<10016x32xf32, #tpu.memory_space<vmem_shared>>
    tpu.wait_indirect_dma semaphore(%arg15 : memref<!tpu.dma_semaphore, #tpu.memory_space<semaphore_mem>>) src(%dma_wait3A_115 : memref<128x32xf32, #tpu.memory_space<vmem>>) dst(%dma_wait3A_121 : memref<10016x32xf32, #tpu.memory_space<vmem_shared>>)
    %rem3A_122 = arith.constant 156 : i32
    %rem3A_123 = arith.constant 2 : i32
    %rem3A_124 = arith.remsi %rem3A_122, %rem3A_123 : i32
    %eq3A_125 = arith.cmpi eq, %rem3A_124, %arg0 : i32
    %convert_element_type3A_126 = arith.extui %eq3A_125 : i1 to i32
    %cond3A_127 = arith.constant 0 : i32
    %cond3A_128 = arith.cmpi ne, %convert_element_type3A_126, %cond3A_127 : i32
    scf.if %cond3A_128 {
      %dma_wait3A_130 = arith.constant 156 : i32
      %dma_wait3A_131 = arith.constant 0 : i32
      %dma_wait3A_132 = tpu.memref_slice %arg10[%dma_wait3A_130, %dma_wait3A_131] : memref<157x128xi32, #tpu.memory_space<vmem>> -> memref<1x128xi32, #tpu.memory_space<vmem>>
      %dma_wait3A_133 = tpu.memref_squeeze %dma_wait3A_132 : memref<1x128xi32, #tpu.memory_space<vmem>> -> memref<128xi32, #tpu.memory_space<vmem>>
      %dma_wait3A_134 = arith.constant 0 : i32
      %dma_wait3A_135 = arith.constant 0 : i32
      %dma_wait3A_136 = tpu.memref_slice %arg17[%dma_wait3A_134, %dma_wait3A_135] : memref<10016x8xf32, #tpu.memory_space<vmem_shared>> -> memref<10016x8xf32, #tpu.memory_space<vmem_shared>>
      tpu.wait_indirect_dma semaphore(%arg18 : memref<!tpu.dma_semaphore, #tpu.memory_space<semaphore_mem>>) src(%arg16 : memref<128x8xf32, #tpu.memory_space<vmem>>) dst(%dma_wait3A_136 : memref<10016x8xf32, #tpu.memory_space<vmem_shared>>)
    } else {
    }
    %barrier3A_129 = arith.constant 0 : index
    tpu.barrier barrier_id(%barrier3A_129)
    "tpu.region"() ({
      %run_scoped3A_130 = tpu.sem_alloc : memref<!tpu.dma_semaphore, #tpu.memory_space<semaphore_mem>>
      %dma_start3A_131 = arith.constant 0 : i32
      %dma_start3A_132 = tpu.memref_slice %arg7[%arg0, %mul3A_0, %dma_start3A_131] : memref<2x10016x32xf32, #tpu.memory_space<hbm>> -> memref<1x626x32xf32, #tpu.memory_space<hbm>>
      %dma_start3A_133 = tpu.memref_squeeze %dma_start3A_132 : memref<1x626x32xf32, #tpu.memory_space<hbm>> -> memref<626x32xf32, #tpu.memory_space<hbm>>
      %dma_start3A_134 = arith.constant 0 : i32
      %dma_start3A_135 = tpu.memref_slice %arg13[%mul3A_0, %dma_start3A_134] : memref<10016x32xf32, #tpu.memory_space<vmem_shared>> -> memref<626x32xf32, #tpu.memory_space<vmem_shared>>
      tpu.enqueue_dma source(%dma_start3A_135 : memref<626x32xf32, #tpu.memory_space<vmem_shared>>) target(%dma_start3A_133 : memref<626x32xf32, #tpu.memory_space<hbm>>) target_semaphore(%run_scoped3A_130 : memref<!tpu.dma_semaphore, #tpu.memory_space<semaphore_mem>>)
      %dma_wait3A_136 = arith.constant 0 : i32
      %dma_wait3A_137 = tpu.memref_slice %arg7[%arg0, %mul3A_0, %dma_wait3A_136] : memref<2x10016x32xf32, #tpu.memory_space<hbm>> -> memref<1x626x32xf32, #tpu.memory_space<hbm>>
      %dma_wait3A_138 = tpu.memref_squeeze %dma_wait3A_137 : memref<1x626x32xf32, #tpu.memory_space<hbm>> -> memref<626x32xf32, #tpu.memory_space<hbm>>
      %dma_wait3A_139 = arith.constant 0 : i32
      %dma_wait3A_140 = tpu.memref_slice %arg13[%mul3A_0, %dma_wait3A_139] : memref<10016x32xf32, #tpu.memory_space<vmem_shared>> -> memref<626x32xf32, #tpu.memory_space<vmem_shared>>
      tpu.wait_dma2 semaphore(%run_scoped3A_130 : memref<!tpu.dma_semaphore, #tpu.memory_space<semaphore_mem>>) src(%dma_wait3A_140 : memref<626x32xf32, #tpu.memory_space<vmem_shared>>) dst(%dma_wait3A_138 : memref<626x32xf32, #tpu.memory_space<hbm>>)
      tpu.yield
    }) : () -> ()
    "tpu.region"() ({
      %run_scoped3A_130 = tpu.sem_alloc : memref<!tpu.dma_semaphore, #tpu.memory_space<semaphore_mem>>
      %dma_start3A_131 = arith.constant 0 : i32
      %dma_start3A_132 = tpu.memref_slice %arg8[%arg0, %mul3A_0, %dma_start3A_131] : memref<2x10016x8xf32, #tpu.memory_space<hbm>> -> memref<1x626x8xf32, #tpu.memory_space<hbm>>
      %dma_start3A_133 = tpu.memref_squeeze %dma_start3A_132 : memref<1x626x8xf32, #tpu.memory_space<hbm>> -> memref<626x8xf32, #tpu.memory_space<hbm>>
      %dma_start3A_134 = arith.constant 0 : i32
      %dma_start3A_135 = tpu.memref_slice %arg17[%mul3A_0, %dma_start3A_134] : memref<10016x8xf32, #tpu.memory_space<vmem_shared>> -> memref<626x8xf32, #tpu.memory_space<vmem_shared>>
      tpu.enqueue_dma source(%dma_start3A_135 : memref<626x8xf32, #tpu.memory_space<vmem_shared>>) target(%dma_start3A_133 : memref<626x8xf32, #tpu.memory_space<hbm>>) target_semaphore(%run_scoped3A_130 : memref<!tpu.dma_semaphore, #tpu.memory_space<semaphore_mem>>)
      %dma_wait3A_136 = arith.constant 0 : i32
      %dma_wait3A_137 = tpu.memref_slice %arg8[%arg0, %mul3A_0, %dma_wait3A_136] : memref<2x10016x8xf32, #tpu.memory_space<hbm>> -> memref<1x626x8xf32, #tpu.memory_space<hbm>>
      %dma_wait3A_138 = tpu.memref_squeeze %dma_wait3A_137 : memref<1x626x8xf32, #tpu.memory_space<hbm>> -> memref<626x8xf32, #tpu.memory_space<hbm>>
      %dma_wait3A_139 = arith.constant 0 : i32
      %dma_wait3A_140 = tpu.memref_slice %arg17[%mul3A_0, %dma_wait3A_139] : memref<10016x8xf32, #tpu.memory_space<vmem_shared>> -> memref<626x8xf32, #tpu.memory_space<vmem_shared>>
      tpu.wait_dma2 semaphore(%run_scoped3A_130 : memref<!tpu.dma_semaphore, #tpu.memory_space<semaphore_mem>>) src(%dma_wait3A_140 : memref<626x8xf32, #tpu.memory_space<vmem_shared>>) dst(%dma_wait3A_138 : memref<626x8xf32, #tpu.memory_space<hbm>>)
      tpu.yield
    }) : () -> ()
    return
  }
}

#map = affine_map<(d0, d1) -> (0, 0)>
#map1 = affine_map<(d0, d1) -> (0, 0, 0, 0)>
#map2 = affine_map<(d0, d1) -> (0, 0, 0)>
module attributes {stable_mosaic.version = 14 : i64} {
  func.func @k(%arg0: i32, %arg1: i32, %arg2: memref<10000x128xf32, #tpu.memory_space<hbm>>, %arg3: memref<2x16x157x128xi32, #tpu.memory_space<hbm>>, %arg4: memref<10016x24xf32, #tpu.memory_space<hbm>>, %arg5: memref<2x10016x24xf32, #tpu.memory_space<hbm>>, %arg6: memref<157x128xi32, #tpu.memory_space<vmem>>, %arg7: memref<157x128xi32, #tpu.memory_space<vmem>>, %arg8: memref<8x128x24xf32, #tpu.memory_space<vmem>>, %arg9: memref<10016x24xf32, #tpu.memory_space<vmem_shared>>, %arg10: memref<10016x24xf32, #tpu.memory_space<vmem_shared>>, %arg11: memref<!tpu.dma_semaphore, #tpu.memory_space<semaphore_mem>>, %arg12: memref<!tpu.dma_semaphore, #tpu.memory_space<semaphore_mem>>) attributes {dimension_semantics = [#tpu.dimension_semantics<core_parallel>, #tpu.dimension_semantics<subcore_parallel>], iteration_bounds = array<i64: 2, 16>, scalar_prefetch = 0 : i64, scratch_operands = 7 : i64, tpu.core_type = #tpu.core_type<sc_vector_subcore>, window_params = [{transform_indices = #map}, {transform_indices = #map1}, {transform_indices = #map}, {transform_indices = #map2}]} {
    %mul3A = arith.constant 626 : i32
    %mul3A_0 = arith.muli %arg1, %mul3A : i32
    %mul3A_1 = arith.constant 625 : i32
    %mul3A_2 = arith.muli %arg1, %mul3A_1 : i32
    %mul3A_3 = arith.constant 24 : i32
    %mul3A_4 = arith.muli %mul3A_3, %arg0 : i32
    %run_scoped3A = arith.constant 0 : i32
    "tpu.region"() ({
      %run_scoped3A_106 = tpu.sem_alloc : memref<!tpu.dma_semaphore, #tpu.memory_space<semaphore_mem>>
      %dma_start3A_107 = arith.constant 0 : i32
      %dma_start3A_108 = arith.constant 0 : i32
      %dma_start3A_109 = tpu.memref_slice %arg3[%run_scoped3A, %arg1, %dma_start3A_107, %dma_start3A_108] : memref<2x16x157x128xi32, #tpu.memory_space<hbm>> -> memref<1x1x157x128xi32, #tpu.memory_space<hbm>>
      %dma_start3A_110 = tpu.memref_squeeze %dma_start3A_109 : memref<1x1x157x128xi32, #tpu.memory_space<hbm>> -> memref<157x128xi32, #tpu.memory_space<hbm>>
      %dma_start3A_111 = arith.constant 0 : i32
      %dma_start3A_112 = arith.constant 0 : i32
      %dma_start3A_113 = tpu.memref_slice %arg3[%run_scoped3A, %arg1, %dma_start3A_111, %dma_start3A_112] : memref<2x16x157x128xi32, #tpu.memory_space<hbm>> -> memref<1x1x157x128xi32, #tpu.memory_space<hbm>>
      %dma_start3A_114 = tpu.memref_squeeze %dma_start3A_113 : memref<1x1x157x128xi32, #tpu.memory_space<hbm>> -> memref<157x128xi32, #tpu.memory_space<hbm>>
      tpu.enqueue_dma source(%dma_start3A_114 : memref<157x128xi32, #tpu.memory_space<hbm>>) target(%arg6 : memref<157x128xi32, #tpu.memory_space<vmem>>) target_semaphore(%run_scoped3A_106 : memref<!tpu.dma_semaphore, #tpu.memory_space<semaphore_mem>>)
      %dma_wait3A_115 = arith.constant 0 : i32
      %dma_wait3A_116 = arith.constant 0 : i32
      %dma_wait3A_117 = tpu.memref_slice %arg3[%run_scoped3A, %arg1, %dma_wait3A_115, %dma_wait3A_116] : memref<2x16x157x128xi32, #tpu.memory_space<hbm>> -> memref<1x1x157x128xi32, #tpu.memory_space<hbm>>
      %dma_wait3A_118 = tpu.memref_squeeze %dma_wait3A_117 : memref<1x1x157x128xi32, #tpu.memory_space<hbm>> -> memref<157x128xi32, #tpu.memory_space<hbm>>
      %dma_wait3A_119 = arith.constant 0 : i32
      %dma_wait3A_120 = arith.constant 0 : i32
      %dma_wait3A_121 = tpu.memref_slice %arg3[%run_scoped3A, %arg1, %dma_wait3A_119, %dma_wait3A_120] : memref<2x16x157x128xi32, #tpu.memory_space<hbm>> -> memref<1x1x157x128xi32, #tpu.memory_space<hbm>>
      %dma_wait3A_122 = tpu.memref_squeeze %dma_wait3A_121 : memref<1x1x157x128xi32, #tpu.memory_space<hbm>> -> memref<157x128xi32, #tpu.memory_space<hbm>>
      tpu.wait_dma2 semaphore(%run_scoped3A_106 : memref<!tpu.dma_semaphore, #tpu.memory_space<semaphore_mem>>) src(%dma_wait3A_122 : memref<157x128xi32, #tpu.memory_space<hbm>>) dst(%arg6 : memref<157x128xi32, #tpu.memory_space<vmem>>)
      tpu.yield
    }) : () -> ()
    %run_scoped3A_5 = arith.constant 1 : i32
    "tpu.region"() ({
      %run_scoped3A_106 = tpu.sem_alloc : memref<!tpu.dma_semaphore, #tpu.memory_space<semaphore_mem>>
      %dma_start3A_107 = arith.constant 0 : i32
      %dma_start3A_108 = arith.constant 0 : i32
      %dma_start3A_109 = tpu.memref_slice %arg3[%run_scoped3A_5, %arg1, %dma_start3A_107, %dma_start3A_108] : memref<2x16x157x128xi32, #tpu.memory_space<hbm>> -> memref<1x1x157x128xi32, #tpu.memory_space<hbm>>
      %dma_start3A_110 = tpu.memref_squeeze %dma_start3A_109 : memref<1x1x157x128xi32, #tpu.memory_space<hbm>> -> memref<157x128xi32, #tpu.memory_space<hbm>>
      %dma_start3A_111 = arith.constant 0 : i32
      %dma_start3A_112 = arith.constant 0 : i32
      %dma_start3A_113 = tpu.memref_slice %arg3[%run_scoped3A_5, %arg1, %dma_start3A_111, %dma_start3A_112] : memref<2x16x157x128xi32, #tpu.memory_space<hbm>> -> memref<1x1x157x128xi32, #tpu.memory_space<hbm>>
      %dma_start3A_114 = tpu.memref_squeeze %dma_start3A_113 : memref<1x1x157x128xi32, #tpu.memory_space<hbm>> -> memref<157x128xi32, #tpu.memory_space<hbm>>
      tpu.enqueue_dma source(%dma_start3A_114 : memref<157x128xi32, #tpu.memory_space<hbm>>) target(%arg7 : memref<157x128xi32, #tpu.memory_space<vmem>>) target_semaphore(%run_scoped3A_106 : memref<!tpu.dma_semaphore, #tpu.memory_space<semaphore_mem>>)
      %dma_wait3A_115 = arith.constant 0 : i32
      %dma_wait3A_116 = arith.constant 0 : i32
      %dma_wait3A_117 = tpu.memref_slice %arg3[%run_scoped3A_5, %arg1, %dma_wait3A_115, %dma_wait3A_116] : memref<2x16x157x128xi32, #tpu.memory_space<hbm>> -> memref<1x1x157x128xi32, #tpu.memory_space<hbm>>
      %dma_wait3A_118 = tpu.memref_squeeze %dma_wait3A_117 : memref<1x1x157x128xi32, #tpu.memory_space<hbm>> -> memref<157x128xi32, #tpu.memory_space<hbm>>
      %dma_wait3A_119 = arith.constant 0 : i32
      %dma_wait3A_120 = arith.constant 0 : i32
      %dma_wait3A_121 = tpu.memref_slice %arg3[%run_scoped3A_5, %arg1, %dma_wait3A_119, %dma_wait3A_120] : memref<2x16x157x128xi32, #tpu.memory_space<hbm>> -> memref<1x1x157x128xi32, #tpu.memory_space<hbm>>
      %dma_wait3A_122 = tpu.memref_squeeze %dma_wait3A_121 : memref<1x1x157x128xi32, #tpu.memory_space<hbm>> -> memref<157x128xi32, #tpu.memory_space<hbm>>
      tpu.wait_dma2 semaphore(%run_scoped3A_106 : memref<!tpu.dma_semaphore, #tpu.memory_space<semaphore_mem>>) src(%dma_wait3A_122 : memref<157x128xi32, #tpu.memory_space<hbm>>) dst(%arg7 : memref<157x128xi32, #tpu.memory_space<vmem>>)
      tpu.yield
    }) : () -> ()
    "tpu.region"() ({
      %run_scoped3A_106 = tpu.sem_alloc : memref<!tpu.dma_semaphore, #tpu.memory_space<semaphore_mem>>
      %dma_start3A_107 = arith.constant 0 : i32
      %dma_start3A_108 = tpu.memref_slice %arg9[%mul3A_2, %dma_start3A_107] : memref<10016x24xf32, #tpu.memory_space<vmem_shared>> -> memref<625x24xf32, #tpu.memory_space<vmem_shared>>
      %dma_start3A_109 = tpu.memref_slice %arg2[%mul3A_2, %mul3A_4] : memref<10000x128xf32, #tpu.memory_space<hbm>> -> memref<625x24xf32, #tpu.memory_space<hbm>>
      tpu.enqueue_dma source(%dma_start3A_109 : memref<625x24xf32, #tpu.memory_space<hbm>>) target(%dma_start3A_108 : memref<625x24xf32, #tpu.memory_space<vmem_shared>>) target_semaphore(%run_scoped3A_106 : memref<!tpu.dma_semaphore, #tpu.memory_space<semaphore_mem>>)
      %dma_wait3A_110 = arith.constant 0 : i32
      %dma_wait3A_111 = tpu.memref_slice %arg9[%mul3A_2, %dma_wait3A_110] : memref<10016x24xf32, #tpu.memory_space<vmem_shared>> -> memref<625x24xf32, #tpu.memory_space<vmem_shared>>
      %dma_wait3A_112 = tpu.memref_slice %arg2[%mul3A_2, %mul3A_4] : memref<10000x128xf32, #tpu.memory_space<hbm>> -> memref<625x24xf32, #tpu.memory_space<hbm>>
      tpu.wait_dma2 semaphore(%run_scoped3A_106 : memref<!tpu.dma_semaphore, #tpu.memory_space<semaphore_mem>>) src(%dma_wait3A_112 : memref<625x24xf32, #tpu.memory_space<hbm>>) dst(%dma_wait3A_111 : memref<625x24xf32, #tpu.memory_space<vmem_shared>>)
      tpu.yield
    }) : () -> ()
    "tpu.region"() ({
      %run_scoped3A_106 = tpu.sem_alloc : memref<!tpu.dma_semaphore, #tpu.memory_space<semaphore_mem>>
      %dma_start3A_107 = arith.constant 0 : i32
      %dma_start3A_108 = tpu.memref_slice %arg10[%mul3A_0, %dma_start3A_107] : memref<10016x24xf32, #tpu.memory_space<vmem_shared>> -> memref<626x24xf32, #tpu.memory_space<vmem_shared>>
      %dma_start3A_109 = arith.constant 0 : i32
      %dma_start3A_110 = tpu.memref_slice %arg4[%mul3A_0, %dma_start3A_109] : memref<10016x24xf32, #tpu.memory_space<hbm>> -> memref<626x24xf32, #tpu.memory_space<hbm>>
      tpu.enqueue_dma source(%dma_start3A_110 : memref<626x24xf32, #tpu.memory_space<hbm>>) target(%dma_start3A_108 : memref<626x24xf32, #tpu.memory_space<vmem_shared>>) target_semaphore(%run_scoped3A_106 : memref<!tpu.dma_semaphore, #tpu.memory_space<semaphore_mem>>)
      %dma_wait3A_111 = arith.constant 0 : i32
      %dma_wait3A_112 = tpu.memref_slice %arg10[%mul3A_0, %dma_wait3A_111] : memref<10016x24xf32, #tpu.memory_space<vmem_shared>> -> memref<626x24xf32, #tpu.memory_space<vmem_shared>>
      %dma_wait3A_113 = arith.constant 0 : i32
      %dma_wait3A_114 = tpu.memref_slice %arg4[%mul3A_0, %dma_wait3A_113] : memref<10016x24xf32, #tpu.memory_space<hbm>> -> memref<626x24xf32, #tpu.memory_space<hbm>>
      tpu.wait_dma2 semaphore(%run_scoped3A_106 : memref<!tpu.dma_semaphore, #tpu.memory_space<semaphore_mem>>) src(%dma_wait3A_114 : memref<626x24xf32, #tpu.memory_space<hbm>>) dst(%dma_wait3A_112 : memref<626x24xf32, #tpu.memory_space<vmem_shared>>)
      tpu.yield
    }) : () -> ()
    %barrier3A = arith.constant 0 : index
    tpu.barrier barrier_id(%barrier3A)
    %dma_start3A = arith.constant 0 : i32
    %dma_start3A_6 = arith.constant 0 : i32
    %dma_start3A_7 = arith.constant 0 : i32
    %dma_start3A_8 = arith.constant 0 : i32
    %dma_start3A_9 = tpu.memref_slice %arg8[%dma_start3A_6, %dma_start3A_7, %dma_start3A_8] : memref<8x128x24xf32, #tpu.memory_space<vmem>> -> memref<1x128x24xf32, #tpu.memory_space<vmem>>
    %dma_start3A_10 = tpu.memref_squeeze %dma_start3A_9 : memref<1x128x24xf32, #tpu.memory_space<vmem>> -> memref<128x24xf32, #tpu.memory_space<vmem>>
    %dma_start3A_11 = arith.constant 0 : i32
    %dma_start3A_12 = tpu.memref_slice %arg6[%dma_start3A, %dma_start3A_11] : memref<157x128xi32, #tpu.memory_space<vmem>> -> memref<1x128xi32, #tpu.memory_space<vmem>>
    %dma_start3A_13 = tpu.memref_squeeze %dma_start3A_12 : memref<1x128xi32, #tpu.memory_space<vmem>> -> memref<128xi32, #tpu.memory_space<vmem>>
    %dma_start3A_14 = arith.constant 0 : i32
    %dma_start3A_15 = arith.constant 0 : i32
    %dma_start3A_16 = tpu.memref_slice %arg9[%dma_start3A_14, %dma_start3A_15] : memref<10016x24xf32, #tpu.memory_space<vmem_shared>> -> memref<10016x24xf32, #tpu.memory_space<vmem_shared>>
    tpu.enqueue_indirect_dma source(%dma_start3A_16 : memref<10016x24xf32, #tpu.memory_space<vmem_shared>>) target(%dma_start3A_10 : memref<128x24xf32, #tpu.memory_space<vmem>>) offsets(%dma_start3A_13 : memref<128xi32, #tpu.memory_space<vmem>>) semaphore(%arg11 : memref<!tpu.dma_semaphore, #tpu.memory_space<semaphore_mem>>)
    %dma_start3A_17 = arith.constant 1 : i32
    %dma_start3A_18 = arith.constant 1 : i32
    %dma_start3A_19 = arith.constant 0 : i32
    %dma_start3A_20 = arith.constant 0 : i32
    %dma_start3A_21 = tpu.memref_slice %arg8[%dma_start3A_18, %dma_start3A_19, %dma_start3A_20] : memref<8x128x24xf32, #tpu.memory_space<vmem>> -> memref<1x128x24xf32, #tpu.memory_space<vmem>>
    %dma_start3A_22 = tpu.memref_squeeze %dma_start3A_21 : memref<1x128x24xf32, #tpu.memory_space<vmem>> -> memref<128x24xf32, #tpu.memory_space<vmem>>
    %dma_start3A_23 = arith.constant 0 : i32
    %dma_start3A_24 = tpu.memref_slice %arg6[%dma_start3A_17, %dma_start3A_23] : memref<157x128xi32, #tpu.memory_space<vmem>> -> memref<1x128xi32, #tpu.memory_space<vmem>>
    %dma_start3A_25 = tpu.memref_squeeze %dma_start3A_24 : memref<1x128xi32, #tpu.memory_space<vmem>> -> memref<128xi32, #tpu.memory_space<vmem>>
    %dma_start3A_26 = arith.constant 0 : i32
    %dma_start3A_27 = arith.constant 0 : i32
    %dma_start3A_28 = tpu.memref_slice %arg9[%dma_start3A_26, %dma_start3A_27] : memref<10016x24xf32, #tpu.memory_space<vmem_shared>> -> memref<10016x24xf32, #tpu.memory_space<vmem_shared>>
    tpu.enqueue_indirect_dma source(%dma_start3A_28 : memref<10016x24xf32, #tpu.memory_space<vmem_shared>>) target(%dma_start3A_22 : memref<128x24xf32, #tpu.memory_space<vmem>>) offsets(%dma_start3A_25 : memref<128xi32, #tpu.memory_space<vmem>>) semaphore(%arg11 : memref<!tpu.dma_semaphore, #tpu.memory_space<semaphore_mem>>)
    %dma_start3A_29 = arith.constant 2 : i32
    %dma_start3A_30 = arith.constant 2 : i32
    %dma_start3A_31 = arith.constant 0 : i32
    %dma_start3A_32 = arith.constant 0 : i32
    %dma_start3A_33 = tpu.memref_slice %arg8[%dma_start3A_30, %dma_start3A_31, %dma_start3A_32] : memref<8x128x24xf32, #tpu.memory_space<vmem>> -> memref<1x128x24xf32, #tpu.memory_space<vmem>>
    %dma_start3A_34 = tpu.memref_squeeze %dma_start3A_33 : memref<1x128x24xf32, #tpu.memory_space<vmem>> -> memref<128x24xf32, #tpu.memory_space<vmem>>
    %dma_start3A_35 = arith.constant 0 : i32
    %dma_start3A_36 = tpu.memref_slice %arg6[%dma_start3A_29, %dma_start3A_35] : memref<157x128xi32, #tpu.memory_space<vmem>> -> memref<1x128xi32, #tpu.memory_space<vmem>>
    %dma_start3A_37 = tpu.memref_squeeze %dma_start3A_36 : memref<1x128xi32, #tpu.memory_space<vmem>> -> memref<128xi32, #tpu.memory_space<vmem>>
    %dma_start3A_38 = arith.constant 0 : i32
    %dma_start3A_39 = arith.constant 0 : i32
    %dma_start3A_40 = tpu.memref_slice %arg9[%dma_start3A_38, %dma_start3A_39] : memref<10016x24xf32, #tpu.memory_space<vmem_shared>> -> memref<10016x24xf32, #tpu.memory_space<vmem_shared>>
    tpu.enqueue_indirect_dma source(%dma_start3A_40 : memref<10016x24xf32, #tpu.memory_space<vmem_shared>>) target(%dma_start3A_34 : memref<128x24xf32, #tpu.memory_space<vmem>>) offsets(%dma_start3A_37 : memref<128xi32, #tpu.memory_space<vmem>>) semaphore(%arg11 : memref<!tpu.dma_semaphore, #tpu.memory_space<semaphore_mem>>)
    %dma_start3A_41 = arith.constant 3 : i32
    %dma_start3A_42 = arith.constant 3 : i32
    %dma_start3A_43 = arith.constant 0 : i32
    %dma_start3A_44 = arith.constant 0 : i32
    %dma_start3A_45 = tpu.memref_slice %arg8[%dma_start3A_42, %dma_start3A_43, %dma_start3A_44] : memref<8x128x24xf32, #tpu.memory_space<vmem>> -> memref<1x128x24xf32, #tpu.memory_space<vmem>>
    %dma_start3A_46 = tpu.memref_squeeze %dma_start3A_45 : memref<1x128x24xf32, #tpu.memory_space<vmem>> -> memref<128x24xf32, #tpu.memory_space<vmem>>
    %dma_start3A_47 = arith.constant 0 : i32
    %dma_start3A_48 = tpu.memref_slice %arg6[%dma_start3A_41, %dma_start3A_47] : memref<157x128xi32, #tpu.memory_space<vmem>> -> memref<1x128xi32, #tpu.memory_space<vmem>>
    %dma_start3A_49 = tpu.memref_squeeze %dma_start3A_48 : memref<1x128xi32, #tpu.memory_space<vmem>> -> memref<128xi32, #tpu.memory_space<vmem>>
    %dma_start3A_50 = arith.constant 0 : i32
    %dma_start3A_51 = arith.constant 0 : i32
    %dma_start3A_52 = tpu.memref_slice %arg9[%dma_start3A_50, %dma_start3A_51] : memref<10016x24xf32, #tpu.memory_space<vmem_shared>> -> memref<10016x24xf32, #tpu.memory_space<vmem_shared>>
    tpu.enqueue_indirect_dma source(%dma_start3A_52 : memref<10016x24xf32, #tpu.memory_space<vmem_shared>>) target(%dma_start3A_46 : memref<128x24xf32, #tpu.memory_space<vmem>>) offsets(%dma_start3A_49 : memref<128xi32, #tpu.memory_space<vmem>>) semaphore(%arg11 : memref<!tpu.dma_semaphore, #tpu.memory_space<semaphore_mem>>)
    %scan3A = arith.constant 0 : i32
    %scan3A_53 = arith.constant 0 : i32
    %scan3A_54 = arith.constant 157 : i32
    %scan3A_55 = arith.addi %scan3A_53, %scan3A_54 : i32
    %scan3A_56 = arith.constant 1 : i32
    scf.for %scan3A_106 = %scan3A_53 to %scan3A_55 step %scan3A_56  : i32 {
      %rem3A = arith.constant 8 : i32
      %rem3A_107 = arith.remsi %scan3A_106, %rem3A : i32
      %ge3A = arith.constant 4 : i32
      %ge3A_108 = arith.cmpi sge, %scan3A_106, %ge3A : i32
      %convert_element_type3A = arith.extui %ge3A_108 : i1 to i32
      %cond3A = arith.constant 0 : i32
      %cond3A_109 = arith.cmpi ne, %convert_element_type3A, %cond3A : i32
      scf.if %cond3A_109 {
        %sub3A = arith.constant 4 : i32
        %sub3A_135 = arith.subi %scan3A_106, %sub3A : i32
        %rem3A_136 = arith.constant 8 : i32
        %rem3A_137 = arith.remsi %sub3A_135, %rem3A_136 : i32
        %dma_wait3A_138 = arith.constant 0 : i32
        %dma_wait3A_139 = arith.constant 0 : i32
        %dma_wait3A_140 = tpu.memref_slice %arg8[%rem3A_137, %dma_wait3A_138, %dma_wait3A_139] : memref<8x128x24xf32, #tpu.memory_space<vmem>> -> memref<1x128x24xf32, #tpu.memory_space<vmem>>
        %dma_wait3A_141 = tpu.memref_squeeze %dma_wait3A_140 : memref<1x128x24xf32, #tpu.memory_space<vmem>> -> memref<128x24xf32, #tpu.memory_space<vmem>>
        %dma_wait3A_142 = arith.constant 0 : i32
        %dma_wait3A_143 = tpu.memref_slice %arg7[%sub3A_135, %dma_wait3A_142] : memref<157x128xi32, #tpu.memory_space<vmem>> -> memref<1x128xi32, #tpu.memory_space<vmem>>
        %dma_wait3A_144 = tpu.memref_squeeze %dma_wait3A_143 : memref<1x128xi32, #tpu.memory_space<vmem>> -> memref<128xi32, #tpu.memory_space<vmem>>
        %dma_wait3A_145 = arith.constant 0 : i32
        %dma_wait3A_146 = arith.constant 0 : i32
        %dma_wait3A_147 = tpu.memref_slice %arg10[%dma_wait3A_145, %dma_wait3A_146] : memref<10016x24xf32, #tpu.memory_space<vmem_shared>> -> memref<10016x24xf32, #tpu.memory_space<vmem_shared>>
        tpu.wait_indirect_dma semaphore(%arg12 : memref<!tpu.dma_semaphore, #tpu.memory_space<semaphore_mem>>) src(%dma_wait3A_141 : memref<128x24xf32, #tpu.memory_space<vmem>>) dst(%dma_wait3A_147 : memref<10016x24xf32, #tpu.memory_space<vmem_shared>>)
      } else {
      }
      %add3A = arith.constant 4 : i32
      %add3A_110 = arith.addi %scan3A_106, %add3A : i32
      %lt3A = arith.constant 157 : i32
      %lt3A_111 = arith.cmpi slt, %add3A_110, %lt3A : i32
      %convert_element_type3A_112 = arith.extui %lt3A_111 : i1 to i32
      %cond3A_113 = arith.constant 0 : i32
      %cond3A_114 = arith.cmpi ne, %convert_element_type3A_112, %cond3A_113 : i32
      scf.if %cond3A_114 {
        %add3A_135 = arith.constant 4 : i32
        %add3A_136 = arith.addi %scan3A_106, %add3A_135 : i32
        %rem3A_137 = arith.constant 8 : i32
        %rem3A_138 = arith.remsi %add3A_136, %rem3A_137 : i32
        %dma_start3A_139 = arith.constant 0 : i32
        %dma_start3A_140 = arith.constant 0 : i32
        %dma_start3A_141 = tpu.memref_slice %arg8[%rem3A_138, %dma_start3A_139, %dma_start3A_140] : memref<8x128x24xf32, #tpu.memory_space<vmem>> -> memref<1x128x24xf32, #tpu.memory_space<vmem>>
        %dma_start3A_142 = tpu.memref_squeeze %dma_start3A_141 : memref<1x128x24xf32, #tpu.memory_space<vmem>> -> memref<128x24xf32, #tpu.memory_space<vmem>>
        %dma_start3A_143 = arith.constant 0 : i32
        %dma_start3A_144 = tpu.memref_slice %arg6[%add3A_136, %dma_start3A_143] : memref<157x128xi32, #tpu.memory_space<vmem>> -> memref<1x128xi32, #tpu.memory_space<vmem>>
        %dma_start3A_145 = tpu.memref_squeeze %dma_start3A_144 : memref<1x128xi32, #tpu.memory_space<vmem>> -> memref<128xi32, #tpu.memory_space<vmem>>
        %dma_start3A_146 = arith.constant 0 : i32
        %dma_start3A_147 = arith.constant 0 : i32
        %dma_start3A_148 = tpu.memref_slice %arg9[%dma_start3A_146, %dma_start3A_147] : memref<10016x24xf32, #tpu.memory_space<vmem_shared>> -> memref<10016x24xf32, #tpu.memory_space<vmem_shared>>
        tpu.enqueue_indirect_dma source(%dma_start3A_148 : memref<10016x24xf32, #tpu.memory_space<vmem_shared>>) target(%dma_start3A_142 : memref<128x24xf32, #tpu.memory_space<vmem>>) offsets(%dma_start3A_145 : memref<128xi32, #tpu.memory_space<vmem>>) semaphore(%arg11 : memref<!tpu.dma_semaphore, #tpu.memory_space<semaphore_mem>>)
      } else {
      }
      %dma_wait3A_115 = arith.constant 0 : i32
      %dma_wait3A_116 = arith.constant 0 : i32
      %dma_wait3A_117 = tpu.memref_slice %arg8[%rem3A_107, %dma_wait3A_115, %dma_wait3A_116] : memref<8x128x24xf32, #tpu.memory_space<vmem>> -> memref<1x128x24xf32, #tpu.memory_space<vmem>>
      %dma_wait3A_118 = tpu.memref_squeeze %dma_wait3A_117 : memref<1x128x24xf32, #tpu.memory_space<vmem>> -> memref<128x24xf32, #tpu.memory_space<vmem>>
      %dma_wait3A_119 = arith.constant 0 : i32
      %dma_wait3A_120 = tpu.memref_slice %arg6[%scan3A_106, %dma_wait3A_119] : memref<157x128xi32, #tpu.memory_space<vmem>> -> memref<1x128xi32, #tpu.memory_space<vmem>>
      %dma_wait3A_121 = tpu.memref_squeeze %dma_wait3A_120 : memref<1x128xi32, #tpu.memory_space<vmem>> -> memref<128xi32, #tpu.memory_space<vmem>>
      %dma_wait3A_122 = arith.constant 0 : i32
      %dma_wait3A_123 = arith.constant 0 : i32
      %dma_wait3A_124 = tpu.memref_slice %arg9[%dma_wait3A_122, %dma_wait3A_123] : memref<10016x24xf32, #tpu.memory_space<vmem_shared>> -> memref<10016x24xf32, #tpu.memory_space<vmem_shared>>
      tpu.wait_indirect_dma semaphore(%arg11 : memref<!tpu.dma_semaphore, #tpu.memory_space<semaphore_mem>>) src(%dma_wait3A_124 : memref<10016x24xf32, #tpu.memory_space<vmem_shared>>) dst(%dma_wait3A_118 : memref<128x24xf32, #tpu.memory_space<vmem>>)
      %dma_start3A_125 = arith.constant 0 : i32
      %dma_start3A_126 = arith.constant 0 : i32
      %dma_start3A_127 = tpu.memref_slice %arg8[%rem3A_107, %dma_start3A_125, %dma_start3A_126] : memref<8x128x24xf32, #tpu.memory_space<vmem>> -> memref<1x128x24xf32, #tpu.memory_space<vmem>>
      %dma_start3A_128 = tpu.memref_squeeze %dma_start3A_127 : memref<1x128x24xf32, #tpu.memory_space<vmem>> -> memref<128x24xf32, #tpu.memory_space<vmem>>
      %dma_start3A_129 = arith.constant 0 : i32
      %dma_start3A_130 = tpu.memref_slice %arg7[%scan3A_106, %dma_start3A_129] : memref<157x128xi32, #tpu.memory_space<vmem>> -> memref<1x128xi32, #tpu.memory_space<vmem>>
      %dma_start3A_131 = tpu.memref_squeeze %dma_start3A_130 : memref<1x128xi32, #tpu.memory_space<vmem>> -> memref<128xi32, #tpu.memory_space<vmem>>
      %dma_start3A_132 = arith.constant 0 : i32
      %dma_start3A_133 = arith.constant 0 : i32
      %dma_start3A_134 = tpu.memref_slice %arg10[%dma_start3A_132, %dma_start3A_133] : memref<10016x24xf32, #tpu.memory_space<vmem_shared>> -> memref<10016x24xf32, #tpu.memory_space<vmem_shared>>
      tpu.enqueue_indirect_dma source(%dma_start3A_128 : memref<128x24xf32, #tpu.memory_space<vmem>>) target(%dma_start3A_134 : memref<10016x24xf32, #tpu.memory_space<vmem_shared>>) offsets(%dma_start3A_131 : memref<128xi32, #tpu.memory_space<vmem>>) semaphore(%arg12 : memref<!tpu.dma_semaphore, #tpu.memory_space<semaphore_mem>>) {add = true}
    }
    %scan3A_57 = arith.constant 157 : i32
    %dma_wait3A = arith.constant 1 : i32
    %dma_wait3A_58 = arith.constant 153 : i32
    %dma_wait3A_59 = arith.constant 0 : i32
    %dma_wait3A_60 = arith.constant 0 : i32
    %dma_wait3A_61 = tpu.memref_slice %arg8[%dma_wait3A, %dma_wait3A_59, %dma_wait3A_60] : memref<8x128x24xf32, #tpu.memory_space<vmem>> -> memref<1x128x24xf32, #tpu.memory_space<vmem>>
    %dma_wait3A_62 = tpu.memref_squeeze %dma_wait3A_61 : memref<1x128x24xf32, #tpu.memory_space<vmem>> -> memref<128x24xf32, #tpu.memory_space<vmem>>
    %dma_wait3A_63 = arith.constant 0 : i32
    %dma_wait3A_64 = tpu.memref_slice %arg7[%dma_wait3A_58, %dma_wait3A_63] : memref<157x128xi32, #tpu.memory_space<vmem>> -> memref<1x128xi32, #tpu.memory_space<vmem>>
    %dma_wait3A_65 = tpu.memref_squeeze %dma_wait3A_64 : memref<1x128xi32, #tpu.memory_space<vmem>> -> memref<128xi32, #tpu.memory_space<vmem>>
    %dma_wait3A_66 = arith.constant 0 : i32
    %dma_wait3A_67 = arith.constant 0 : i32
    %dma_wait3A_68 = tpu.memref_slice %arg10[%dma_wait3A_66, %dma_wait3A_67] : memref<10016x24xf32, #tpu.memory_space<vmem_shared>> -> memref<10016x24xf32, #tpu.memory_space<vmem_shared>>
    tpu.wait_indirect_dma semaphore(%arg12 : memref<!tpu.dma_semaphore, #tpu.memory_space<semaphore_mem>>) src(%dma_wait3A_62 : memref<128x24xf32, #tpu.memory_space<vmem>>) dst(%dma_wait3A_68 : memref<10016x24xf32, #tpu.memory_space<vmem_shared>>)
    %dma_wait3A_69 = arith.constant 2 : i32
    %dma_wait3A_70 = arith.constant 154 : i32
    %dma_wait3A_71 = arith.constant 0 : i32
    %dma_wait3A_72 = arith.constant 0 : i32
    %dma_wait3A_73 = tpu.memref_slice %arg8[%dma_wait3A_69, %dma_wait3A_71, %dma_wait3A_72] : memref<8x128x24xf32, #tpu.memory_space<vmem>> -> memref<1x128x24xf32, #tpu.memory_space<vmem>>
    %dma_wait3A_74 = tpu.memref_squeeze %dma_wait3A_73 : memref<1x128x24xf32, #tpu.memory_space<vmem>> -> memref<128x24xf32, #tpu.memory_space<vmem>>
    %dma_wait3A_75 = arith.constant 0 : i32
    %dma_wait3A_76 = tpu.memref_slice %arg7[%dma_wait3A_70, %dma_wait3A_75] : memref<157x128xi32, #tpu.memory_space<vmem>> -> memref<1x128xi32, #tpu.memory_space<vmem>>
    %dma_wait3A_77 = tpu.memref_squeeze %dma_wait3A_76 : memref<1x128xi32, #tpu.memory_space<vmem>> -> memref<128xi32, #tpu.memory_space<vmem>>
    %dma_wait3A_78 = arith.constant 0 : i32
    %dma_wait3A_79 = arith.constant 0 : i32
    %dma_wait3A_80 = tpu.memref_slice %arg10[%dma_wait3A_78, %dma_wait3A_79] : memref<10016x24xf32, #tpu.memory_space<vmem_shared>> -> memref<10016x24xf32, #tpu.memory_space<vmem_shared>>
    tpu.wait_indirect_dma semaphore(%arg12 : memref<!tpu.dma_semaphore, #tpu.memory_space<semaphore_mem>>) src(%dma_wait3A_74 : memref<128x24xf32, #tpu.memory_space<vmem>>) dst(%dma_wait3A_80 : memref<10016x24xf32, #tpu.memory_space<vmem_shared>>)
    %dma_wait3A_81 = arith.constant 3 : i32
    %dma_wait3A_82 = arith.constant 155 : i32
    %dma_wait3A_83 = arith.constant 0 : i32
    %dma_wait3A_84 = arith.constant 0 : i32
    %dma_wait3A_85 = tpu.memref_slice %arg8[%dma_wait3A_81, %dma_wait3A_83, %dma_wait3A_84] : memref<8x128x24xf32, #tpu.memory_space<vmem>> -> memref<1x128x24xf32, #tpu.memory_space<vmem>>
    %dma_wait3A_86 = tpu.memref_squeeze %dma_wait3A_85 : memref<1x128x24xf32, #tpu.memory_space<vmem>> -> memref<128x24xf32, #tpu.memory_space<vmem>>
    %dma_wait3A_87 = arith.constant 0 : i32
    %dma_wait3A_88 = tpu.memref_slice %arg7[%dma_wait3A_82, %dma_wait3A_87] : memref<157x128xi32, #tpu.memory_space<vmem>> -> memref<1x128xi32, #tpu.memory_space<vmem>>
    %dma_wait3A_89 = tpu.memref_squeeze %dma_wait3A_88 : memref<1x128xi32, #tpu.memory_space<vmem>> -> memref<128xi32, #tpu.memory_space<vmem>>
    %dma_wait3A_90 = arith.constant 0 : i32
    %dma_wait3A_91 = arith.constant 0 : i32
    %dma_wait3A_92 = tpu.memref_slice %arg10[%dma_wait3A_90, %dma_wait3A_91] : memref<10016x24xf32, #tpu.memory_space<vmem_shared>> -> memref<10016x24xf32, #tpu.memory_space<vmem_shared>>
    tpu.wait_indirect_dma semaphore(%arg12 : memref<!tpu.dma_semaphore, #tpu.memory_space<semaphore_mem>>) src(%dma_wait3A_86 : memref<128x24xf32, #tpu.memory_space<vmem>>) dst(%dma_wait3A_92 : memref<10016x24xf32, #tpu.memory_space<vmem_shared>>)
    %dma_wait3A_93 = arith.constant 4 : i32
    %dma_wait3A_94 = arith.constant 156 : i32
    %dma_wait3A_95 = arith.constant 0 : i32
    %dma_wait3A_96 = arith.constant 0 : i32
    %dma_wait3A_97 = tpu.memref_slice %arg8[%dma_wait3A_93, %dma_wait3A_95, %dma_wait3A_96] : memref<8x128x24xf32, #tpu.memory_space<vmem>> -> memref<1x128x24xf32, #tpu.memory_space<vmem>>
    %dma_wait3A_98 = tpu.memref_squeeze %dma_wait3A_97 : memref<1x128x24xf32, #tpu.memory_space<vmem>> -> memref<128x24xf32, #tpu.memory_space<vmem>>
    %dma_wait3A_99 = arith.constant 0 : i32
    %dma_wait3A_100 = tpu.memref_slice %arg7[%dma_wait3A_94, %dma_wait3A_99] : memref<157x128xi32, #tpu.memory_space<vmem>> -> memref<1x128xi32, #tpu.memory_space<vmem>>
    %dma_wait3A_101 = tpu.memref_squeeze %dma_wait3A_100 : memref<1x128xi32, #tpu.memory_space<vmem>> -> memref<128xi32, #tpu.memory_space<vmem>>
    %dma_wait3A_102 = arith.constant 0 : i32
    %dma_wait3A_103 = arith.constant 0 : i32
    %dma_wait3A_104 = tpu.memref_slice %arg10[%dma_wait3A_102, %dma_wait3A_103] : memref<10016x24xf32, #tpu.memory_space<vmem_shared>> -> memref<10016x24xf32, #tpu.memory_space<vmem_shared>>
    tpu.wait_indirect_dma semaphore(%arg12 : memref<!tpu.dma_semaphore, #tpu.memory_space<semaphore_mem>>) src(%dma_wait3A_98 : memref<128x24xf32, #tpu.memory_space<vmem>>) dst(%dma_wait3A_104 : memref<10016x24xf32, #tpu.memory_space<vmem_shared>>)
    %barrier3A_105 = arith.constant 0 : index
    tpu.barrier barrier_id(%barrier3A_105)
    "tpu.region"() ({
      %run_scoped3A_106 = tpu.sem_alloc : memref<!tpu.dma_semaphore, #tpu.memory_space<semaphore_mem>>
      %dma_start3A_107 = arith.constant 0 : i32
      %dma_start3A_108 = tpu.memref_slice %arg5[%arg0, %mul3A_0, %dma_start3A_107] : memref<2x10016x24xf32, #tpu.memory_space<hbm>> -> memref<1x626x24xf32, #tpu.memory_space<hbm>>
      %dma_start3A_109 = tpu.memref_squeeze %dma_start3A_108 : memref<1x626x24xf32, #tpu.memory_space<hbm>> -> memref<626x24xf32, #tpu.memory_space<hbm>>
      %dma_start3A_110 = arith.constant 0 : i32
      %dma_start3A_111 = tpu.memref_slice %arg10[%mul3A_0, %dma_start3A_110] : memref<10016x24xf32, #tpu.memory_space<vmem_shared>> -> memref<626x24xf32, #tpu.memory_space<vmem_shared>>
      tpu.enqueue_dma source(%dma_start3A_111 : memref<626x24xf32, #tpu.memory_space<vmem_shared>>) target(%dma_start3A_109 : memref<626x24xf32, #tpu.memory_space<hbm>>) target_semaphore(%run_scoped3A_106 : memref<!tpu.dma_semaphore, #tpu.memory_space<semaphore_mem>>)
      %dma_wait3A_112 = arith.constant 0 : i32
      %dma_wait3A_113 = tpu.memref_slice %arg5[%arg0, %mul3A_0, %dma_wait3A_112] : memref<2x10016x24xf32, #tpu.memory_space<hbm>> -> memref<1x626x24xf32, #tpu.memory_space<hbm>>
      %dma_wait3A_114 = tpu.memref_squeeze %dma_wait3A_113 : memref<1x626x24xf32, #tpu.memory_space<hbm>> -> memref<626x24xf32, #tpu.memory_space<hbm>>
      %dma_wait3A_115 = arith.constant 0 : i32
      %dma_wait3A_116 = tpu.memref_slice %arg10[%mul3A_0, %dma_wait3A_115] : memref<10016x24xf32, #tpu.memory_space<vmem_shared>> -> memref<626x24xf32, #tpu.memory_space<vmem_shared>>
      tpu.wait_dma2 semaphore(%run_scoped3A_106 : memref<!tpu.dma_semaphore, #tpu.memory_space<semaphore_mem>>) src(%dma_wait3A_116 : memref<626x24xf32, #tpu.memory_space<vmem_shared>>) dst(%dma_wait3A_114 : memref<626x24xf32, #tpu.memory_space<hbm>>)
      tpu.yield
    }) : () -> ()
    return
  }
}

module attributes {stable_mosaic.version = 14 : i64} {
  func.func @body(%arg0: i32, %arg1: memref<2000x128xf32, #tpu.memory_space<vmem>>, %arg2: memref<64x128xf32, #tpu.memory_space<vmem>>, %arg3: memref<64x128xf32, #tpu.memory_space<vmem>>, %arg4: memref<2000x128xf32, #tpu.memory_space<vmem>>) attributes {dimension_semantics = [#tpu.dimension_semantics<arbitrary>], iteration_bounds = array<i64: 5>, scalar_prefetch = 0 : i64, scratch_operands = 0 : i64, tpu.core_type = #tpu.core_type<tc>, window_params = [{transform_indices = @transform_0, window_bounds = array<i64: 2000, 128>}, {pipeline_mode = #tpu.pipeline_mode<synchronous>, transform_indices = @transform_1, window_bounds = array<i64: 64, 128>}, {pipeline_mode = #tpu.pipeline_mode<synchronous>, transform_indices = @transform_2, window_bounds = array<i64: 64, 128>}, {transform_indices = @transform_3, window_bounds = array<i64: 2000, 128>}]} {
    %get3A = arith.constant 0 : index
    %get3A_0 = arith.constant 0 : index
    %get3A_1 = vector.load %arg1[%get3A, %get3A_0] : memref<2000x128xf32, #tpu.memory_space<vmem>>, vector<2000x128xf32>
    %get3A_2 = arith.constant 0 : index
    %get3A_3 = arith.constant 0 : index
    %get3A_4 = vector.load %arg2[%get3A_2, %get3A_3] : memref<64x128xf32, #tpu.memory_space<vmem>>, vector<64x128xf32>
    %dot_general3A = arith.constant dense<0.000000e+00> : vector<2000x64xf32>
    %dot_general3A_5 = tpu.matmul %get3A_1, %get3A_4, %dot_general3A {dimension_numbers = #tpu.dot_dimension_numbers<[1], [1], [0], [0], [0, 0, 1, 0], [], []>, transpose_lhs_hint = false} : vector<2000x128xf32>, vector<64x128xf32>, vector<2000x64xf32> -> vector<2000x64xf32>
    %get3A_6 = arith.constant 0 : index
    %get3A_7 = arith.constant 0 : index
    %get3A_8 = vector.load %arg3[%get3A_6, %get3A_7] : memref<64x128xf32, #tpu.memory_space<vmem>>, vector<64x128xf32>
    %dot_general3A_9 = arith.constant dense<0.000000e+00> : vector<2000x64xf32>
    %dot_general3A_10 = tpu.matmul %get3A_1, %get3A_8, %dot_general3A_9 {dimension_numbers = #tpu.dot_dimension_numbers<[1], [1], [0], [0], [0, 0, 1, 0], [], []>, transpose_lhs_hint = false} : vector<2000x128xf32>, vector<64x128xf32>, vector<2000x64xf32> -> vector<2000x64xf32>
    %concatenate3A = tpu.concatenate %dot_general3A_5, %dot_general3A_10 in 1 : vector<2000x64xf32>, vector<2000x64xf32> -> vector<2000x128xf32>
    %swap3A = arith.constant 0 : index
    %swap3A_11 = arith.constant 0 : index
    %swap3A_12 = vector.load %arg4[%swap3A, %swap3A_11] : memref<2000x128xf32, #tpu.memory_space<vmem>>, vector<2000x128xf32>
    tpu.vector_store %arg4[%swap3A, %swap3A_11], %concatenate3A {strides = array<i32>} : memref<2000x128xf32, #tpu.memory_space<vmem>>, vector<2000x128xf32>,
    return
  }
  func.func @transform_0(%arg0: i32) -> (i32, i32) {
    %c0_i32 = arith.constant 0 : i32
    %c0_i32_0 = arith.constant 0 : i32
    return %arg0, %c0_i32 : i32, i32
  }
  func.func @transform_1(%arg0: i32) -> (i32, i32) {
    %c0_i32 = arith.constant 0 : i32
    %c0_i32_0 = arith.constant 0 : i32
    %c0_i32_1 = arith.constant 0 : i32
    return %c0_i32, %c0_i32_0 : i32, i32
  }
  func.func @transform_2(%arg0: i32) -> (i32, i32) {
    %c0_i32 = arith.constant 0 : i32
    %c0_i32_0 = arith.constant 0 : i32
    %c0_i32_1 = arith.constant 0 : i32
    return %c0_i32, %c0_i32_0 : i32, i32
  }
  func.func @transform_3(%arg0: i32) -> (i32, i32) {
    %c0_i32 = arith.constant 0 : i32
    %c0_i32_0 = arith.constant 0 : i32
    return %arg0, %c0_i32 : i32, i32
  }
}

module attributes {stable_mosaic.version = 14 : i64} {
  func.func @body(%arg0: i32, %arg1: memref<2x2000x32xf32, #tpu.memory_space<vmem>>, %arg2: memref<2x2000x8xf32, #tpu.memory_space<vmem>>, %arg3: memref<2000x128xf32, #tpu.memory_space<vmem>>, %arg4: memref<8x64xf32, #tpu.memory_space<vmem>>, %arg5: memref<64x64xf32, #tpu.memory_space<vmem>>, %arg6: memref<64x64xf32, #tpu.memory_space<vmem>>, %arg7: memref<40x64xf32, #tpu.memory_space<vmem>>, %arg8: memref<2000x128xf32, #tpu.memory_space<vmem>>) attributes {dimension_semantics = [#tpu.dimension_semantics<arbitrary>], iteration_bounds = array<i64: 5>, scalar_prefetch = 0 : i64, scratch_operands = 0 : i64, tpu.core_type = #tpu.core_type<tc>, window_params = [{transform_indices = @transform_0, window_bounds = array<i64: 2, 2000, 32>}, {transform_indices = @transform_1, window_bounds = array<i64: 2, 2000, 8>}, {transform_indices = @transform_2, window_bounds = array<i64: 2000, 128>}, {pipeline_mode = #tpu.pipeline_mode<synchronous>, transform_indices = @transform_3, window_bounds = array<i64: 8, 64>}, {pipeline_mode = #tpu.pipeline_mode<synchronous>, transform_indices = @transform_4, window_bounds = array<i64: 64, 64>}, {pipeline_mode = #tpu.pipeline_mode<synchronous>, transform_indices = @transform_5, window_bounds = array<i64: 64, 64>}, {pipeline_mode = #tpu.pipeline_mode<synchronous>, transform_indices = @transform_6, window_bounds = array<i64: 40, 64>}, {transform_indices = @transform_7, window_bounds = array<i64: 2000, 128>}]} {
    %get3A = arith.constant 0 : index
    %get3A_0 = arith.constant 0 : index
    %get3A_1 = arith.constant 0 : index
    %get3A_2 = vector.load %arg1[%get3A, %get3A_0, %get3A_1] : memref<2x2000x32xf32, #tpu.memory_space<vmem>>, vector<1x2000x32xf32>
    %get3A_3 = vector.shape_cast %get3A_2 : vector<1x2000x32xf32> to vector<2000x32xf32>
    %get3A_4 = arith.constant 1 : index
    %get3A_5 = arith.constant 0 : index
    %get3A_6 = arith.constant 0 : index
    %get3A_7 = vector.load %arg1[%get3A_4, %get3A_5, %get3A_6] : memref<2x2000x32xf32, #tpu.memory_space<vmem>>, vector<1x2000x32xf32>
    %get3A_8 = vector.shape_cast %get3A_7 : vector<1x2000x32xf32> to vector<2000x32xf32>
    %concatenate3A = tpu.concatenate %get3A_3, %get3A_8 in 1 : vector<2000x32xf32>, vector<2000x32xf32> -> vector<2000x64xf32>
    %get3A_9 = arith.constant 0 : index
    %get3A_10 = arith.constant 0 : index
    %get3A_11 = arith.constant 0 : index
    %get3A_12 = vector.load %arg2[%get3A_9, %get3A_10, %get3A_11] : memref<2x2000x8xf32, #tpu.memory_space<vmem>>, vector<1x2000x1xf32>
    %get3A_13 = vector.shape_cast %get3A_12 : vector<1x2000x1xf32> to vector<2000x1xf32>
    %get3A_14 = arith.constant 1 : index
    %get3A_15 = arith.constant 0 : index
    %get3A_16 = arith.constant 0 : index
    %get3A_17 = vector.load %arg2[%get3A_14, %get3A_15, %get3A_16] : memref<2x2000x8xf32, #tpu.memory_space<vmem>>, vector<1x2000x1xf32>
    %get3A_18 = vector.shape_cast %get3A_17 : vector<1x2000x1xf32> to vector<2000x1xf32>
    %add3A = arith.addf %get3A_13, %get3A_18 : vector<2000x1xf32>
    %max3A = arith.constant 1.000000e+00 : f32
    %max3A_19 = vector.broadcast %max3A : f32 to vector<2000x1xf32>
    %max3A_20 = arith.maximumf %add3A, %max3A_19 : vector<2000x1xf32>
    %div3A = arith.constant 1.000000e+00 : f32
    %div3A_21 = vector.broadcast %div3A : f32 to vector<2000x1xf32>
    %div3A_22 = arith.divf %div3A_21, %max3A_20 : vector<2000x1xf32>
    %mul3A = vector.broadcast %div3A_22 : vector<2000x1xf32> to vector<2000x64xf32>
    %mul3A_23 = arith.mulf %concatenate3A, %mul3A : vector<2000x64xf32>
    %get3A_24 = arith.constant 0 : index
    %get3A_25 = arith.constant 0 : index
    %get3A_26 = vector.load %arg4[%get3A_24, %get3A_25] : memref<8x64xf32, #tpu.memory_space<vmem>>, vector<1x64xf32>
    %add3A_27 = vector.broadcast %get3A_26 : vector<1x64xf32> to vector<2000x64xf32>
    %add3A_28 = arith.addf %mul3A_23, %add3A_27 : vector<2000x64xf32>
    %get3A_29 = arith.constant 0 : index
    %get3A_30 = arith.constant 64 : index
    %get3A_31 = vector.load %arg3[%get3A_29, %get3A_30] : memref<2000x128xf32, #tpu.memory_space<vmem>>, vector<2000x64xf32>
    %add3A_32 = arith.addf %add3A_28, %get3A_31 : vector<2000x64xf32>
    %max3A_33 = arith.constant 0.000000e+00 : f32
    %max3A_34 = vector.broadcast %max3A_33 : f32 to vector<2000x64xf32>
    %max3A_35 = arith.maximumf %add3A_32, %max3A_34 : vector<2000x64xf32>
    %get3A_36 = arith.constant 0 : index
    %get3A_37 = arith.constant 0 : index
    %get3A_38 = vector.load %arg7[%get3A_36, %get3A_37] : memref<40x64xf32, #tpu.memory_space<vmem>>, vector<40x64xf32>
    %get3A_39 = arith.constant 0 : index
    %get3A_40 = arith.constant 0 : index
    %get3A_41 = vector.load %arg5[%get3A_39, %get3A_40] : memref<64x64xf32, #tpu.memory_space<vmem>>, vector<64x64xf32>
    %dot_general3A = arith.constant dense<0.000000e+00> : vector<40x64xf32>
    %dot_general3A_42 = tpu.matmul %get3A_38, %get3A_41, %dot_general3A {dimension_numbers = #tpu.dot_dimension_numbers<[1], [0], [0], [1], [0, 0, 1, 1], [], []>, transpose_lhs_hint = false} : vector<40x64xf32>, vector<64x64xf32>, vector<40x64xf32> -> vector<40x64xf32>
    %get3A_43 = arith.constant 0 : index
    %get3A_44 = arith.constant 0 : index
    %get3A_45 = vector.load %arg7[%get3A_43, %get3A_44] : memref<40x64xf32, #tpu.memory_space<vmem>>, vector<40x64xf32>
    %get3A_46 = arith.constant 0 : index
    %get3A_47 = arith.constant 0 : index
    %get3A_48 = vector.load %arg6[%get3A_46, %get3A_47] : memref<64x64xf32, #tpu.memory_space<vmem>>, vector<64x64xf32>
    %dot_general3A_49 = arith.constant dense<0.000000e+00> : vector<40x64xf32>
    %dot_general3A_50 = tpu.matmul %get3A_45, %get3A_48, %dot_general3A_49 {dimension_numbers = #tpu.dot_dimension_numbers<[1], [0], [0], [1], [0, 0, 1, 1], [], []>, transpose_lhs_hint = false} : vector<40x64xf32>, vector<64x64xf32>, vector<40x64xf32> -> vector<40x64xf32>
    %dot_general3A_51 = arith.constant dense<0.000000e+00> : vector<2000x40xf32>
    %dot_general3A_52 = tpu.matmul %max3A_35, %dot_general3A_42, %dot_general3A_51 {dimension_numbers = #tpu.dot_dimension_numbers<[1], [1], [0], [0], [0, 0, 1, 0], [], []>, transpose_lhs_hint = false} : vector<2000x64xf32>, vector<40x64xf32>, vector<2000x40xf32> -> vector<2000x40xf32>
    %dot_general3A_53 = arith.constant dense<0.000000e+00> : vector<2000x40xf32>
    %dot_general3A_54 = tpu.matmul %max3A_35, %dot_general3A_50, %dot_general3A_53 {dimension_numbers = #tpu.dot_dimension_numbers<[1], [1], [0], [0], [0, 0, 1, 0], [], []>, transpose_lhs_hint = false} : vector<2000x64xf32>, vector<40x64xf32>, vector<2000x40xf32> -> vector<2000x40xf32>
    %broadcast_in_dim3A = arith.constant 0.000000e+00 : f32
    %broadcast_in_dim3A_55 = vector.broadcast %broadcast_in_dim3A : f32 to vector<2000x4xf32>
    %broadcast_in_dim3A_56 = arith.constant 0.000000e+00 : f32
    %broadcast_in_dim3A_57 = vector.broadcast %broadcast_in_dim3A_56 : f32 to vector<2000x40xf32>
    %slice3A = vector.extract_strided_slice %dot_general3A_52 {offsets = [0, 0], sizes = [2000, 20], strides = [1, 1]} : vector<2000x40xf32> to vector<2000x20xf32>
    %slice3A_58 = vector.extract_strided_slice %dot_general3A_52 {offsets = [0, 20], sizes = [2000, 20], strides = [1, 1]} : vector<2000x40xf32> to vector<2000x20xf32>
    %concatenate3A_59 = tpu.concatenate %slice3A, %broadcast_in_dim3A_55, %slice3A_58, %broadcast_in_dim3A_55, %dot_general3A_54, %broadcast_in_dim3A_57 in 1 : vector<2000x20xf32>, vector<2000x4xf32>, vector<2000x20xf32>, vector<2000x4xf32>, vector<2000x40xf32>, vector<2000x40xf32> -> vector<2000x128xf32>
    %swap3A = arith.constant 0 : index
    %swap3A_60 = arith.constant 0 : index
    %swap3A_61 = vector.load %arg8[%swap3A, %swap3A_60] : memref<2000x128xf32, #tpu.memory_space<vmem>>, vector<2000x128xf32>
    tpu.vector_store %arg8[%swap3A, %swap3A_60], %concatenate3A_59 {strides = array<i32>} : memref<2000x128xf32, #tpu.memory_space<vmem>>, vector<2000x128xf32>,
    return
  }
  func.func @transform_0(%arg0: i32) -> (i32, i32, i32) {
    %c0_i32 = arith.constant 0 : i32
    %c0_i32_0 = arith.constant 0 : i32
    %c0_i32_1 = arith.constant 0 : i32
    return %c0_i32, %arg0, %c0_i32_0 : i32, i32, i32
  }
  func.func @transform_1(%arg0: i32) -> (i32, i32, i32) {
    %c0_i32 = arith.constant 0 : i32
    %c0_i32_0 = arith.constant 0 : i32
    %c0_i32_1 = arith.constant 0 : i32
    return %c0_i32, %arg0, %c0_i32_0 : i32, i32, i32
  }
  func.func @transform_2(%arg0: i32) -> (i32, i32) {
    %c0_i32 = arith.constant 0 : i32
    %c0_i32_0 = arith.constant 0 : i32
    return %arg0, %c0_i32 : i32, i32
  }
  func.func @transform_3(%arg0: i32) -> (i32, i32) {
    %c0_i32 = arith.constant 0 : i32
    %c0_i32_0 = arith.constant 0 : i32
    %c0_i32_1 = arith.constant 0 : i32
    return %c0_i32, %c0_i32_0 : i32, i32
  }
  func.func @transform_4(%arg0: i32) -> (i32, i32) {
    %c0_i32 = arith.constant 0 : i32
    %c0_i32_0 = arith.constant 0 : i32
    %c0_i32_1 = arith.constant 0 : i32
    return %c0_i32, %c0_i32_0 : i32, i32
  }
  func.func @transform_5(%arg0: i32) -> (i32, i32) {
    %c0_i32 = arith.constant 0 : i32
    %c0_i32_0 = arith.constant 0 : i32
    %c0_i32_1 = arith.constant 0 : i32
    return %c0_i32, %c0_i32_0 : i32, i32
  }
  func.func @transform_6(%arg0: i32) -> (i32, i32) {
    %c0_i32 = arith.constant 0 : i32
    %c0_i32_0 = arith.constant 0 : i32
    %c0_i32_1 = arith.constant 0 : i32
    return %c0_i32, %c0_i32_0 : i32, i32
  }
  func.func @transform_7(%arg0: i32) -> (i32, i32) {
    %c0_i32 = arith.constant 0 : i32
    %c0_i32_0 = arith.constant 0 : i32
    return %arg0, %c0_i32 : i32, i32
  }
}

module attributes {stable_mosaic.version = 14 : i64} {
  func.func @body(%arg0: i32, %arg1: memref<2x2000x24xf32, #tpu.memory_space<vmem>>, %arg2: memref<2x2000x8xf32, #tpu.memory_space<vmem>>, %arg3: memref<2000x128xf32, #tpu.memory_space<vmem>>, %arg4: memref<8x64xf32, #tpu.memory_space<vmem>>, %arg5: memref<8x40xf32, #tpu.memory_space<vmem>>, %arg6: memref<40x64xf32, #tpu.memory_space<vmem>>, %arg7: memref<2000x40xf32, #tpu.memory_space<vmem>>) attributes {dimension_semantics = [#tpu.dimension_semantics<arbitrary>], iteration_bounds = array<i64: 5>, scalar_prefetch = 0 : i64, scratch_operands = 0 : i64, tpu.core_type = #tpu.core_type<tc>, window_params = [{transform_indices = @transform_0, window_bounds = array<i64: 2, 2000, 24>}, {transform_indices = @transform_1, window_bounds = array<i64: 2, 2000, 8>}, {transform_indices = @transform_2, window_bounds = array<i64: 2000, 128>}, {pipeline_mode = #tpu.pipeline_mode<synchronous>, transform_indices = @transform_3, window_bounds = array<i64: 8, 64>}, {pipeline_mode = #tpu.pipeline_mode<synchronous>, transform_indices = @transform_4, window_bounds = array<i64: 8, 40>}, {pipeline_mode = #tpu.pipeline_mode<synchronous>, transform_indices = @transform_5, window_bounds = array<i64: 40, 64>}, {transform_indices = @transform_6, window_bounds = array<i64: 2000, 40>}]} {
    %get3A = arith.constant 0 : index
    %get3A_0 = arith.constant 0 : index
    %get3A_1 = arith.constant 0 : index
    %get3A_2 = vector.load %arg1[%get3A, %get3A_0, %get3A_1] : memref<2x2000x24xf32, #tpu.memory_space<vmem>>, vector<1x2000x24xf32>
    %get3A_3 = vector.shape_cast %get3A_2 : vector<1x2000x24xf32> to vector<2000x24xf32>
    %slice3A = vector.extract_strided_slice %get3A_3 {offsets = [0, 0], sizes = [2000, 20], strides = [1, 1]} : vector<2000x24xf32> to vector<2000x20xf32>
    %get3A_4 = arith.constant 1 : index
    %get3A_5 = arith.constant 0 : index
    %get3A_6 = arith.constant 0 : index
    %get3A_7 = vector.load %arg1[%get3A_4, %get3A_5, %get3A_6] : memref<2x2000x24xf32, #tpu.memory_space<vmem>>, vector<1x2000x24xf32>
    %get3A_8 = vector.shape_cast %get3A_7 : vector<1x2000x24xf32> to vector<2000x24xf32>
    %slice3A_9 = vector.extract_strided_slice %get3A_8 {offsets = [0, 0], sizes = [2000, 20], strides = [1, 1]} : vector<2000x24xf32> to vector<2000x20xf32>
    %concatenate3A = tpu.concatenate %slice3A, %slice3A_9 in 1 : vector<2000x20xf32>, vector<2000x20xf32> -> vector<2000x40xf32>
    %get3A_10 = arith.constant 0 : index
    %get3A_11 = arith.constant 0 : index
    %get3A_12 = arith.constant 0 : index
    %get3A_13 = vector.load %arg2[%get3A_10, %get3A_11, %get3A_12] : memref<2x2000x8xf32, #tpu.memory_space<vmem>>, vector<1x2000x1xf32>
    %get3A_14 = vector.shape_cast %get3A_13 : vector<1x2000x1xf32> to vector<2000x1xf32>
    %get3A_15 = arith.constant 1 : index
    %get3A_16 = arith.constant 0 : index
    %get3A_17 = arith.constant 0 : index
    %get3A_18 = vector.load %arg2[%get3A_15, %get3A_16, %get3A_17] : memref<2x2000x8xf32, #tpu.memory_space<vmem>>, vector<1x2000x1xf32>
    %get3A_19 = vector.shape_cast %get3A_18 : vector<1x2000x1xf32> to vector<2000x1xf32>
    %add3A = arith.addf %get3A_14, %get3A_19 : vector<2000x1xf32>
    %max3A = arith.constant 1.000000e+00 : f32
    %max3A_20 = vector.broadcast %max3A : f32 to vector<2000x1xf32>
    %max3A_21 = arith.maximumf %add3A, %max3A_20 : vector<2000x1xf32>
    %div3A = arith.constant 1.000000e+00 : f32
    %div3A_22 = vector.broadcast %div3A : f32 to vector<2000x1xf32>
    %div3A_23 = arith.divf %div3A_22, %max3A_21 : vector<2000x1xf32>
    %mul3A = vector.broadcast %div3A_23 : vector<2000x1xf32> to vector<2000x40xf32>
    %mul3A_24 = arith.mulf %concatenate3A, %mul3A : vector<2000x40xf32>
    %get3A_25 = arith.constant 0 : index
    %get3A_26 = arith.constant 0 : index
    %get3A_27 = vector.load %arg4[%get3A_25, %get3A_26] : memref<8x64xf32, #tpu.memory_space<vmem>>, vector<1x64xf32>
    %get3A_28 = arith.constant 0 : index
    %get3A_29 = arith.constant 0 : index
    %get3A_30 = vector.load %arg6[%get3A_28, %get3A_29] : memref<40x64xf32, #tpu.memory_space<vmem>>, vector<40x64xf32>
    %dot_general3A = arith.constant dense<0.000000e+00> : vector<1x40xf32>
    %dot_general3A_31 = tpu.matmul %get3A_27, %get3A_30, %dot_general3A {dimension_numbers = #tpu.dot_dimension_numbers<[1], [1], [0], [0], [0, 0, 1, 0], [], []>, transpose_lhs_hint = false} : vector<1x64xf32>, vector<40x64xf32>, vector<1x40xf32> -> vector<1x40xf32>
    %get3A_32 = arith.constant 0 : index
    %get3A_33 = arith.constant 48 : index
    %get3A_34 = vector.load %arg3[%get3A_32, %get3A_33] : memref<2000x128xf32, #tpu.memory_space<vmem>>, vector<2000x40xf32>
    %add3A_35 = arith.addf %mul3A_24, %get3A_34 : vector<2000x40xf32>
    %add3A_36 = vector.broadcast %dot_general3A_31 : vector<1x40xf32> to vector<2000x40xf32>
    %add3A_37 = arith.addf %add3A_35, %add3A_36 : vector<2000x40xf32>
    %get3A_38 = arith.constant 0 : index
    %get3A_39 = arith.constant 0 : index
    %get3A_40 = vector.load %arg5[%get3A_38, %get3A_39] : memref<8x40xf32, #tpu.memory_space<vmem>>, vector<1x40xf32>
    %add3A_41 = vector.broadcast %get3A_40 : vector<1x40xf32> to vector<2000x40xf32>
    %add3A_42 = arith.addf %add3A_37, %add3A_41 : vector<2000x40xf32>
    %swap3A = arith.constant 0 : index
    %swap3A_43 = arith.constant 0 : index
    %swap3A_44 = vector.load %arg7[%swap3A, %swap3A_43] : memref<2000x40xf32, #tpu.memory_space<vmem>>, vector<2000x40xf32>
    tpu.vector_store %arg7[%swap3A, %swap3A_43], %add3A_42 {strides = array<i32>} : memref<2000x40xf32, #tpu.memory_space<vmem>>, vector<2000x40xf32>,
    return
  }
  func.func @transform_0(%arg0: i32) -> (i32, i32, i32) {
    %c0_i32 = arith.constant 0 : i32
    %c0_i32_0 = arith.constant 0 : i32
    %c0_i32_1 = arith.constant 0 : i32
    return %c0_i32, %arg0, %c0_i32_0 : i32, i32, i32
  }
  func.func @transform_1(%arg0: i32) -> (i32, i32, i32) {
    %c0_i32 = arith.constant 0 : i32
    %c0_i32_0 = arith.constant 0 : i32
    %c0_i32_1 = arith.constant 0 : i32
    return %c0_i32, %arg0, %c0_i32_0 : i32, i32, i32
  }
  func.func @transform_2(%arg0: i32) -> (i32, i32) {
    %c0_i32 = arith.constant 0 : i32
    %c0_i32_0 = arith.constant 0 : i32
    return %arg0, %c0_i32 : i32, i32
  }
  func.func @transform_3(%arg0: i32) -> (i32, i32) {
    %c0_i32 = arith.constant 0 : i32
    %c0_i32_0 = arith.constant 0 : i32
    %c0_i32_1 = arith.constant 0 : i32
    return %c0_i32, %c0_i32_0 : i32, i32
  }
  func.func @transform_4(%arg0: i32) -> (i32, i32) {
    %c0_i32 = arith.constant 0 : i32
    %c0_i32_0 = arith.constant 0 : i32
    %c0_i32_1 = arith.constant 0 : i32
    return %c0_i32, %c0_i32_0 : i32, i32
  }
  func.func @transform_5(%arg0: i32) -> (i32, i32) {
    %c0_i32 = arith.constant 0 : i32
    %c0_i32_0 = arith.constant 0 : i32
    %c0_i32_1 = arith.constant 0 : i32
    return %c0_i32, %c0_i32_0 : i32, i32
  }
  func.func @transform_6(%arg0: i32) -> (i32, i32) {
    %c0_i32 = arith.constant 0 : i32
    %c0_i32_0 = arith.constant 0 : i32
    return %arg0, %c0_i32 : i32, i32
  }
}

</mosaic_0001>

<sc_bundles>
// kernel: kernel.10.cloned.1.call-start
scs
__scs_entry_jumppad:
0x0: {  	(pc) =	sbr.rel $0x88, $3  }
0x1: {  	(tag) =	ssettag $0x0;
	lr =	simm.s32 $0x1  }
0x2: {  	[smem:$0x3F97] =	sst lr;
	_ =	strace $0xD0000000  }
0x3: {  	_ = 	snop  }
0x4: {  	_ = 	snop  }
0x5: {  	_ = 	snop  }
0x6: {  	_ = 	snop  }
0x7: {  	_ = 	snop  }
__scs_overlays_trampoline_lowered:
0x8: {  	[smem:$0x3FA6] =	sst s0  }
0x9: {  	[smem:$0x3FA7] =	sst s1  }
0xa: {  	[smem:$0x3FA8] =	sst s2  }
0xb: {  	[smem:$0x3FA9] =	sst s3  }
0xc: {  	[smem:$0x3FAA] =	sst s4  }
0xd: {  	[smem:$0x3FAB] =	sst s5  }
0xe: {  	[smem:$0x3FAC] =	sst s6  }
0xf: {  	[smem:$0x3FAD] =	sst s7  }
0x10: {  	[smem:$0x3FAE] =	sst s8  }
0x11: {  	[smem:$0x3FAF] =	sst s9;
	s0 =	simm.s32 @!p0 $0x0  }
0x12: {  	s1 =	sld [smem:$0x3F95];
	s0 =	simm.s32 @p0 $0x1  }
0x13: {  	[smem:$0x3FB0] =	sst s0;
	s0 =	simm.s32 @!p1 $0x0  }
0x14: {  	s2 =	sld [smem:$0x3F94];
	s0 =	simm.s32 @p1 $0x1  }
0x15: {  	[smem:$0x3FB1] =	sst s0;
	s0 =	simm.s32 @!p2 $0x0  }
0x16: {  	s3 =	sld [smem:$0x3FDB];
	s0 =	simm.s32 @p2 $0x1  }
0x17: {  	s4 =	simm.s32 $0x1BF5;
	[smem:$0x3FB3] =	sst s0  }
0x18: {  	s0 =	sld [smem:$0x3F96];
	_ =	swait.ge [sflag:s4], $0x0  }
0x19: {  	s7 =	sld [smem:$0x3F97]  }
0x1a: {  	s8 =	sadd.s32 $0xFFFFE003, lr  }
0x1b: {  	s9 =	sadd.s32 $0xFFFFFEF7, lr;
	s5 =	simm.s32 $0xFFFFFFFF;
	p2 =	slt.u32 s8, $0xFFFFF086  }
0x1c: {  	p1 =	slt.u32 s9, $0xF7A;
	s5 =	simm.s32 @!p2 $0x0  }
0x1d: {  	s5 =	simm.s32 @p1 $0x1;
	p0 =	seq.s32 s7, s2  }
0x1e: {  	s7 =	smul.u32 @!p0 $0xF7A, s2;
	p2 =	seq.s32 @!p0 s5, $0x0  }
0x1f: {  	s9 =	smul.u32 $0xF7A, s1;
	s8 =	simm.s32 @!p0 $0x1BF5;
	p2 =	por !p2, p0  }
0x20: {  	[sflag:s8] =	ssyncset.s32 @!p0 $0xFFFFF086;
	s6 =	sadd.s32 @!p0 s3, s7;
	s7 =	simm.s32 @!p0 $0x108  }
0x21: {  	s3 =	sadd.s32 s3, s9;
	s6 =	sadd.s32 @!p0 $0x88, s6;
	s7 =	simm.s32 @p2 $0x1082  }
0x22: {  	[simem:s7], [sflag:s8] =	dma.local @!p0 [hbm:s6], $0xF7A  }
0x23: {  	s9 =	sor.u32 $0xD0000000, s2;
	s6 =	simm.s32 $0x108;
	_ =	swait.ge @!p0 [sflag:s8], $0x0  }
0x24: {  	s3 =	sadd.s32 $0x88, s3;
	s6 =	simm.s32 @!p1 $0x1082;
	[sflag:s4] =	ssyncset.s32 $0xFFFFF086  }
0x25: {  	[simem:s6], [sflag:s4] =	dma.local [hbm:s3], $0xF7A  }
0x26: {  	[smem:$0x3F97] =	sst s1;
	(tag) =	ssettag s2;
	_ =	strace s9  }
0x27: {  	s1 =	sld [smem:$0x3FA7]  }
0x28: {  	s2 =	sld [smem:$0x3FA8]  }
0x29: {  	s4 =	sld [smem:$0x3FAA]  }
0x2a: {  	p0 =	seq.s32 s5, $0x0;
	s5 =	sld [smem:$0x3FAB]  }
0x2b: {  	s6 =	sld [smem:$0x3FAC]  }
0x2c: {  	s7 =	sld [smem:$0x3FAD]  }
0x2d: {  	s3 =	simm.s32 $0x108;
	s8 =	sld [smem:$0x3FAE]  }
0x2e: {  	s3 =	simm.s32 @!p0 $0x1082;
	s9 =	sld [smem:$0x3FAF]  }
0x2f: {  	lr =	sadd.s32 s0, s3;
	s0 =	sld [smem:$0x3FA6]  }
0x30: {  	s3 =	sld [smem:$0x3FA9]  }
0x31: {  	[smem:$0x3FB2] =	sst s10  }
0x32: {  	s10 =	sld [smem:$0x3FB0];
	_ =	sdelay $0x3  }
0x33: {  	p0 =	seq.s32 s10, $0x1;
	s10 =	sld [smem:$0x3FB2];
	_ =	sdelay $0x3  }
0x34: {  	[smem:$0x3FB2] =	sst s10  }
0x35: {  	s10 =	sld [smem:$0x3FB1];
	_ =	sdelay $0x3  }
0x36: {  	p1 =	seq.s32 s10, $0x1;
	s10 =	sld [smem:$0x3FB2];
	_ =	sdelay $0x3  }
0x37: {  	[smem:$0x3FB2] =	sst s10  }
0x38: {  	s10 =	sld [smem:$0x3FB3]  }
0x39: {  	_ = 	snop;
	(pc) =	sbr.ind lr, $3  }
0x3a: {  	_ = 	snop  }
0x3b: {  	_ = 	snop  }
0x3c: {  	p2 =	seq.s32 s10, $0x1;
	s10 =	sld [smem:$0x3FB2]  }
0x3d: {  	_ =	shalt  }
0x3e: {  	_ =	shalt  }
0x3f: {  	_ =	shalt  }
0x40: {  	_ =	shalt  }
0x41: {  	_ =	shalt  }
0x42: {  	_ =	shalt  }
0x43: {  	_ =	shalt  }
0x44: {  	_ =	shalt  }
0x45: {  	_ =	shalt  }
0x46: {  	_ =	shalt  }
0x47: {  	_ =	shalt  }
0x48: {  	_ =	shalt  }
0x49: {  	_ =	shalt  }
0x4a: {  	_ =	shalt  }
0x4b: {  	_ =	shalt  }
0x4c: {  	_ =	shalt  }
0x4d: {  	_ =	shalt  }
0x4e: {  	_ =	shalt  }
0x4f: {  	_ =	shalt  }
0x50: {  	_ =	shalt  }
0x51: {  	_ =	shalt  }
0x52: {  	_ =	shalt  }
0x53: {  	_ =	shalt  }
0x54: {  	_ =	shalt  }
0x55: {  	_ =	shalt  }
0x56: {  	_ =	shalt  }
0x57: {  	_ =	shalt  }
0x58: {  	_ =	shalt  }
0x59: {  	_ =	shalt  }
0x5a: {  	_ =	shalt  }
0x5b: {  	_ =	shalt  }
0x5c: {  	_ =	shalt  }
0x5d: {  	_ =	shalt  }
0x5e: {  	_ =	shalt  }
0x5f: {  	_ =	shalt  }
0x60: {  	_ =	shalt  }
0x61: {  	_ =	shalt  }
0x62: {  	_ =	shalt  }
0x63: {  	_ =	shalt  }
0x64: {  	_ =	shalt  }
0x65: {  	_ =	shalt  }
0x66: {  	_ =	shalt  }
0x67: {  	_ =	shalt  }
0x68: {  	_ =	shalt  }
0x69: {  	_ =	shalt  }
0x6a: {  	_ =	shalt  }
0x6b: {  	_ =	shalt  }
0x6c: {  	_ =	shalt  }
0x6d: {  	_ =	shalt  }
0x6e: {  	_ =	shalt  }
0x6f: {  	_ =	shalt  }
0x70: {  	_ =	shalt  }
0x71: {  	_ =	shalt  }
0x72: {  	_ =	shalt  }
0x73: {  	_ =	shalt  }
0x74: {  	_ =	shalt  }
0x75: {  	_ =	shalt  }
0x76: {  	_ =	shalt  }
0x77: {  	_ =	shalt  }
0x78: {  	_ =	shalt  }
0x79: {  	_ =	shalt  }
0x7a: {  	_ =	shalt  }
0x7b: {  	_ =	shalt  }
0x7c: {  	_ =	shalt  }
0x7d: {  	_ =	shalt  }
0x7e: {  	_ =	shalt  }
0x7f: {  	_ =	shalt  }
0x80: {  	_ =	shalt  }
0x81: {  	_ =	shalt  }
0x82: {  	_ =	shalt  }
0x83: {  	_ =	shalt  }
0x84: {  	_ =	shalt  }
0x85: {  	_ =	shalt  }
0x86: {  	_ =	shalt  }
0x87: {  	_ =	shalt  }
.Lfunc_end0:
.L_simem_size_0:
called_computation.1_lowered:
.L_overlay_start_0:
0x88: {  	s2 =	sld [smem:$0x3FD9]  }
0x89: {  	s3 =	sld [smem:$0x3FFE];
	_ =	sdelay $0x1  }
0x8a: {  	s1 =	srdreg.scid  }
0x8b: {  	s0 =	sand.u32 $0x1, s1  }
0x8c: {  	s17 =	sshll.u32 s0, $0xA;
	s2 =	sadd.s32 s3, s2  }
0x8d: {  	s2 =	sadd.s32 s2, s17  }
0x8e: {  	[smem:$0x3FBE] =	sst s2  }
0x8f: {  	_ = 	snop  }
0x90: {  	s2 =	sld [smem:$0x3FD0];
	(tm) =	ssettm $0x1  }
0x91: {  	s18 =	sld [smem:$0x3FFB];
	_ =	sdelay $0x3  }
0x92: {  	_ =	strace s18  }
0x93: {  	s3 =	sld [smem:$0x3FFC];
	_ =	sdelay $0x3  }
0x94: {  	_ =	strace s3  }
0x95: {  	s3 =	sld [smem:$0x3FFD];
	_ =	sdelay $0x3  }
0x96: {  	_ =	strace s3  }
0x97: {  	_ =	strace $0x8FFFFFFF  }
0x98: {  	s19 =	sld [smem:$0x3FDB];
	_ =	sdelay $0x1  }
0x99: {  	s4 =	simm.s32 $_scs_section_size  }
0x9a: {  	s5 =	simm.s32 $_size__tile_overlayer_lowered;
	s6 =	simm.s32 $_tile_overlayer_lowered  }
0x9b: {  	s22 =	simm.s32 $0x1BFF;
	s21 =	sshll.u32 s6, $0x1;
	s3 =	sadd.s32 s4, s19  }
0x9c: {  	s7 =	simm.s32 $0x0;
	s20 =	sshll.u32 s5, $0x1;
	s5 =	sadd.s32 s21, s3  }
0x9d: {  	[timem:s7], [sflag:s22] =	dma.local [hbm:s5], s20  }
0x9e: {  	_ =	swait.ge [sflag:s22], s20  }
0x9f: {  	s4 =	ssub.s32 $0x0, s20;
	[sflag:s22] =	ssyncset.done $0x0  }
0xa0: {  	[sflag:s22] =	ssyncadd.s32 s4;
	_ =	sdelay $0x1  }
0xa1: {  	s23 =	simm.s32 $0x1B8B  }
0xa2: {  	_ =	swait.ge [sflag:s23], $0x1  }
0xa3: {  	[sflag:s23] =	ssyncset.done $0x0  }
0xa4: {  	s25 =	simm.s32 $0x1B8E;
	s24 =	sld [smem:$0x3FFE];
	[sflag:s23] =	ssyncadd.s32 $0xFFFFFFFF  }
0xa5: {  	s26 =	simm.s32 $execute0_lowered;
	[smem:$0x3FD2] =	sst s25  }
0xa6: {  	s5 =	sshll.u32 s26, $0x1;
	_ =	strace $0x80000049;
	[dreg:$0x1] =	wrdreg $0xFFFFFFFF  }
0xa7: {  	s28 =	simm.s32 $_size_execute0_lowered;
	s3 =	sadd.s32 s3, s5;
	[dreg:$0x0] =	wrdreg $0x0  }
0xa8: {  	s5 =	sshll.u32 s28, $0x1;
	[dreg:$0x2] =	wrdreg s3  }
0xa9: {  	[dreg:$0x3] =	wrdreg s5  }
0xaa: {  	[dreg:$0x4] =	wrdreg $0xC0  }
0xab: {  	_ =	task [dreg:s7], $0x5FFFF  }
0xac: {  	[dreg:$0x1] =	wrdreg $0xFFFFFFFF  }
0xad: {  	[dreg:$0x0] =	wrdreg $0x60  }
0xae: {  	[dreg:$0x2] =	wrdreg s24  }
0xaf: {  	[dreg:$0x3] =	wrdreg s2  }
0xb0: {  	[dreg:$0x4] =	wrdreg $0xFD000  }
0xb1: {  	[dreg:$0x5] =	wrdreg $0x137B00  }
0xb2: {  	[dreg:$0x6] =	wrdreg $0x9  }
0xb3: {  	_ =	task.clear_ibuf [dreg:s7], $0x7FFFF;
	_ =	strace $0x90000049  }
0xb4: {  	s29 =	simm.s32 $0x9;
	_ =	strace $0x8000004B  }
0xb5: {  	_ =	swait.ge [sflag:s29], $0x1  }
0xb6: {  	[sflag:s29] =	ssyncadd.s32 $0xFFFFFFFF  }
0xb7: {  	_ =	strace $0x9000004B  }
0xb8: {  	_ =	sfence  }
0xb9: {  	s30 =	sld [smem:$0x0];
	_ =	sdelay $0x2  }
0xba: {  	s31 =	sshll.u32 s1, $0xD;
	s1 =	sshrl.u32 s1, $0x2  }
0xbb: {  	s3 =	sand.u32 $0x4000, s31;
	s1 =	sadd.s32 s1, s30  }
0xbc: {  	s0 =	sor.u32 s3, s0;
	s1 =	sshll.u32 s1, $0x11  }
0xbd: {  	s0 =	sor.u32 s1, s0  }
0xbe: {  	s0 =	sadd.s32 $0x8F2B, s0  }
0xbf: {  	[sflag:s0] =	ssyncadd.remote.s32 $0x1  }
0xc0: {  	_ =	sfence.sel $0xFFFF  }
0xc1: {  	[dreg:$0x0] =	wrdreg $0xFFFFFFFF;
	(pc) =	sbr.abs _section_cstart, $3  }
0xc2: {  	[dreg:$0x1] =	wrdreg $0xFFFFFFFF  }
0xc3: {  	_ =	task.clear_ibuf [dreg:s7], $0x2FFFF;
	_ =	strace $0x9FFFFFFF  }
0xc4: {  	(tm) =	ssettm $0x7FFFFFFF  }
0xc5: {  	_ =	shalt  }
tec
execute0_lowered:
.L_overlay_start_1:
0x0: {  	(tag) =	ssettag $0x1  }
0x1: {  	s0 =	rddreg [dreg:$0x0]  }
0x2: {  	s8 =	rddreg [dreg:$0x1]  }
0x3: {  	s1 =	srdreg.scid;
	s2 =	rddreg [dreg:$0x2]  }
0x4: {  	s12 =	stileid.u32;
	s3 =	rddreg [dreg:$0x3]  }
0x5: {  	s4 =	simm.s32 $0x0;
	s15 =	simm.s32 $0x1;
	s6 =	smul.u32 $0x13880, s12  }
0x6: {  	s18 =	simm.s32 $0x80;
	s19 =	simm.s32 $0x9D00;
	s7 =	smul.u32 $0x4E80, s12  }
0x7: {  	s20 =	simm.s32 $0xA900;
	s22 =	simm.s32 $0xB500;
	s9 =	smul.u32 $0x3AB0, s12  }
0x8: {  	s24 =	simm.s32 $0xC100;
	s1 =	sand.u32 $0x1, s1;
	s28 =	smul.u32 $0xEA60, s12  }
0x9: {  	[smem:$0x7FF] =	sst s4;
	s31 =	sshll.u32 s12, $0x6;
	s5 =	smul.u32 $0x18, s1  }
0xa: {  	s12 =	simm.s32 $0x4E80;
	s25 =	smul.u32 $0x3AB00, s1;
	_ =	strace $0x8000004A  }
0xb: {  	s1 =	ssub.s32 $0x2, s1;
	s13 =	sor.u32 $0x1C03, s31;
	s26 =	sshrl.u32 s7, $0x3  }
0xc: {  	s29 =	sshrl.u32 s1, $0x1;
	s7 =	sshrl.u32 s28, $0x2;
	s30 =	sshrl.u32 s9, $0x3  }
0xd: {  	s16 =	sadd.s32 s9, s3;
	s5 =	sor.u32 s5, s6;
	s6 =	sadd.s32 s9, s25  }
0xe: {  	s11 =	sadd.s32 s26, s0;
	s1 =	ssub.s32 s1, s29;
	s14 =	sadd.s32 s7, s2  }
0xf: {  	s8 =	sadd.s32 s8, s30;
	s17 =	sshrl.u32 s16, $0x3;
	s25 =	simm.s32 $0x2  }
0x10: {  	s26 =	simm.s32 $0x0;
	s5 =	sshrl.u32 s5, $0x3;
	s6 =	sshrl.u32 s6, $0x3  }
0x11: {  	s14 =	sshrl.u32 s14, $0x3;
	s10 =	sadd.s32 s5, s0;
	s0 =	sadd.s32 s6, s0  }
0x12: {  	s5 =	sadd.s32 $0x3400, s11;
	s6 =	sadd.s32 $0xD100, s11;
	s11 =	simm.s32 $0x3  }
0x13: {  	s7 =	sadd.s32 $0x16E00, s10;
	s9 =	sadd.s32 $0x3E000, s0;
	s10 =	smax.u32 s1, $0x1  }
.LBB2_1:
0x14: {  	[tilespmem:s4], [sflag:$0x3] =	stream.linear.gather [hbm4b:s5+s4], $0x4E80, $0x38;
	[tilespmem:$0x17260] =	vst v63  }
0x15: {  	_ =	swait.ge [sflag:s11], $0x4E80  }
0x16: {  	[sflag:s11] =	ssyncset.done $0x0  }
0x17: {  	[sflag:s11] =	ssyncadd.s32 $0xFFFFB180  }
0x18: {  	[tilespmem:s12], [sflag:$0x3] =	stream.linear.gather [hbm4b:s6+s4], $0x4E80, $0x38;
	[tilespmem:$0x17260] =	vst v63  }
0x19: {  	_ =	swait.ge [sflag:s11], $0x4E80  }
0x1a: {  	[sflag:s11] =	ssyncset.done $0x0  }
0x1b: {  	s0 =	simm.s32 $0x10;
	[sflag:s11] =	ssyncadd.s32 $0xFFFFB180  }
0x1c: {  	[spmem:s14@s11], [sflag:s13] =	dma.strided [hbm:s7@s0], $0x753, s15, $0x3   }
0x1d: {  	_ =	swait.ge [sflag:s11], $0x753  }
0x1e: {  	[sflag:s11] =	ssyncset.done $0x0  }
0x1f: {  	[sflag:s11] =	ssyncadd.s32 $0xFFFFF8AD  }
0x20: {  	[spmem:s17], [sflag:s13] =	dma.local [hbm:s8], $0x756  }
0x21: {  	_ =	swait.ge [sflag:s11], $0x756  }
0x22: {  	[sflag:s11] =	ssyncset.done $0x0  }
0x23: {  	[sflag:s11] =	ssyncadd.s32 $0xFFFFF8AA  }
0x24: {  	[bflag:$0x0] =	sbarrier.arrive $0xFFFF  }
0x25: {  	[tilespmem:s19], [sflag:$0x1] =	stream.indirect.gather [spmem:s2], $0x18, s4, s18, $0xb8;
	[tilespmem:$0x17260] =	vst v63  }
0x26: {  	_ = 	snop  }
0x27: {  	[tilespmem:s20], [sflag:$0x1] =	stream.indirect.gather [spmem:s2], $0x18, s18, s18, $0xb8;
	[tilespmem:$0x17260] =	vst v63  }
0x28: {  	s23 =	simm.s32 $0x100  }
0x29: {  	[tilespmem:s22], [sflag:$0x1] =	stream.indirect.gather [spmem:s2], $0x18, s23, s18, $0xb8;
	[tilespmem:$0x17260] =	vst v63  }
0x2a: {  	s1 =	simm.s32 $0x180  }
0x2b: {  	[tilespmem:s24], [sflag:$0x1] =	stream.indirect.gather [spmem:s2], $0x18, s1, s18, $0xb8;
	[tilespmem:$0x17260] =	vst v63  }
0x2c: {  	s16 =	simm.s32 $0x200;
	s1 =	simm.s32 $0xCD00  }
0x2d: {  	[tilespmem:s1], [sflag:$0x1] =	stream.indirect.gather [spmem:s2], $0x18, s16, s18, $0xb8;
	[tilespmem:$0x17260] =	vst v63  }
0x2e: {  	_ =	swait.ge [sflag:s15], $0xC00  }
0x2f: {  	[sflag:s15] =	ssyncset.done $0x0  }
0x30: {  	[sflag:s15] =	ssyncadd.s32 $0xFFFFF400  }
0x31: {  	[spmem:s3] =	stream.indirect.scatter.add.f32 [tilespmem:s19], [sflag:$0x2], $0x18, s12, s18, $0xb8;
	[tilespmem:$0x17260] =	vst v63  }
0x32: {  	s21 =	simm.s32 $0x280;
	s23 =	simm.s32 $0xD900  }
0x33: {  	[tilespmem:s23], [sflag:$0x1] =	stream.indirect.gather [spmem:s2], $0x18, s21, s18, $0xb8;
	[tilespmem:$0x17260] =	vst v63  }
0x34: {  	_ =	swait.ge [sflag:s15], $0xC00  }
0x35: {  	[sflag:s15] =	ssyncset.done $0x0  }
0x36: {  	s16 =	simm.s32 $0x4F00;
	[sflag:s15] =	ssyncadd.s32 $0xFFFFF400  }
0x37: {  	[spmem:s3] =	stream.indirect.scatter.add.f32 [tilespmem:s20], [sflag:$0x2], $0x18, s16, s18, $0xb8;
	[tilespmem:$0x17260] =	vst v63  }
0x38: {  	s21 =	simm.s32 $0x300;
	s23 =	simm.s32 $0xE500  }
0x39: {  	[tilespmem:s23], [sflag:$0x1] =	stream.indirect.gather [spmem:s2], $0x18, s21, s18, $0xb8;
	[tilespmem:$0x17260] =	vst v63  }
0x3a: {  	_ =	swait.ge [sflag:s15], $0xC00  }
0x3b: {  	[sflag:s15] =	ssyncset.done $0x0  }
0x3c: {  	p0 =	por $0x0, $0x0;
	s1 =	simm.s32 $0x4F80;
	[sflag:s15] =	ssyncadd.s32 $0xFFFFF400  }
0x3d: {  	[spmem:s3] =	stream.indirect.scatter.add.f32 [tilespmem:s22], [sflag:$0x2], $0x18, s1, s18, $0xb8;
	[tilespmem:$0x17260] =	vst v63  }
0x3e: {  	s29 =	simm.s32 $0x5080;
	s16 =	simm.s32 $0x380;
	s21 =	simm.s32 $0xF100  }
0x3f: {  	[tilespmem:s21], [sflag:$0x1] =	stream.indirect.gather [spmem:s2], $0x18, s16, s18, $0xb8;
	[tilespmem:$0x17260] =	vst v63  }
0x40: {  	s31 =	simm.s32 $0x9;
	s0 =	simm.s32 $0x8;
	_ =	swait.ge [sflag:s15], $0xC00  }
0x41: {  	s28 =	simm.s32 $0x4;
	s0 =	sand.u32 @!p0 $0x7, s0;
	[sflag:s15] =	ssyncset.done $0x0  }
0x42: {  	s0 =	smul.u32 @!p0 $0x3000, s0;
	s23 =	simm.s32 $0x5000;
	[sflag:s15] =	ssyncadd.s32 $0xFFFFF400  }
0x43: {  	[spmem:s3] =	stream.indirect.scatter.add.f32 [tilespmem:s24], [sflag:$0x2], $0x18, s23, s18, $0xb8;
	[tilespmem:$0x17260] =	vst v63  }
0x44: {  	s28 =	sand.u32 $0x7, s28;
	s0 =	sshrl.u32 @!p0 s0, $0x2;
	_ =	swait.ge [sflag:s25], $0xC00  }
0x45: {  	s30 =	simm.s32 @!p0 $0x80;
	s0 =	sadd.s32 @!p0 $0x9D00, s0;
	[sflag:s25] =	ssyncset.done $0x0  }
0x46: {  	s1 =	simm.s32 $0xA;
	s16 =	simm.s32 $0x400;
	[sflag:s25] =	ssyncadd.s32 $0xFFFFF400  }
0x47: {  	[tilespmem:s0], [sflag:$0x1] =	stream.indirect.gather @!p0 [spmem:s2], $0x18, s16, s30, $0xb8;
	[tilespmem:$0x17260] =	vst v63  }
0x48: {  	s16 =	smul.u32 $0x3000, s28;
	s30 =	simm.s32 $0x480;
	_ =	swait.ge [sflag:s15], $0xC00  }
0x49: {  	s0 =	simm.s32 $0x5;
	s28 =	simm.s32 $0x5100;
	[sflag:s15] =	ssyncset.done $0x0  }
.LBB2_2:
0x4a: {  	p1 =	sgt.u32 s0, $0x98  }
0x4b: {  	s16 =	sshrl.u32 s16, $0x2;
	s21 =	smov.u32 s1;
	s1 =	sadd.s32 $0x1, s1  }
0x4c: {  	p0 =	sne.s32 s1, $0xA1;
	s31 =	sand.u32 @!p1 $0x7, s31;
	s16 =	sadd.s32 $0x9D00, s16  }
0x4d: {  	s23 =	smul.u32 @!p1 $0x3000, s31;
	[sflag:s15] =	ssyncadd.s32 $0xFFFFF400;
	s31 =	smov.u32 s21  }
0x4e: {  	[spmem:s3] =	stream.indirect.scatter.add.f32 [tilespmem:s16], [sflag:$0x2], $0x18, s29, s18, $0xb8;
	[tilespmem:$0x17260] =	vst v63  }
0x4f: {  	s29 =	smov.u32 s28;
	_ =	swait.ge [sflag:s25], $0xC00;
	s16 =	sshrl.u32 @!p1 s23, $0x2  }
.Ltmp0:
0x50: {  	[sflag:s25] =	ssyncset.done $0x0;
	s16 =	sadd.s32 @!p1 $0x9D00, s16;
	(pc) =	sbr.rel @p0 .LBB2_2-.Ltmp0, $4  }
0x51: {  	s0 =	sand.u32 $0x7, s0;
	s21 =	simm.s32 @!p1 $0x80;
	[sflag:s25] =	ssyncadd.s32 $0xFFFFF400  }
0x52: {  	[tilespmem:s16], [sflag:$0x1] =	stream.indirect.gather @!p1 [spmem:s2], $0x18, s30, s21, $0xb8;
	[tilespmem:$0x17260] =	vst v63  }
0x53: {  	s16 =	smul.u32 $0x3000, s0;
	s30 =	sadd.s32 $0x80, s30;
	_ =	swait.ge [sflag:s15], $0xC00  }
0x54: {  	s28 =	sadd.s32 $0x80, s28;
	s0 =	sadd.s32 $0xFFFFFFFC, s31;
	[sflag:s15] =	ssyncset.done $0x0  }
0x55: {  	p0 =	sgt.u32 s0, $0x98  }
0x56: {  	s1 =	sshrl.u32 s16, $0x2;
	s16 =	sand.u32 @!p0 $0x7, s31  }
0x57: {  	[sflag:s15] =	ssyncadd.s32 $0xFFFFF400;
	s1 =	sadd.s32 $0x9D00, s1;
	s16 =	smul.u32 @!p0 $0x3000, s16  }
0x58: {  	[spmem:s3] =	stream.indirect.scatter.add.f32 [tilespmem:s1], [sflag:$0x2], $0x18, s29, s18, $0xb8;
	[tilespmem:$0x17260] =	vst v63  }
0x59: {  	s31 =	sand.u32 $0x7, s0;
	_ =	swait.ge [sflag:s25], $0xC00  }
0x5a: {  	s0 =	smul.u32 $0x3000, s31;
	s1 =	sshrl.u32 @!p0 s16, $0x2;
	[sflag:s25] =	ssyncset.done $0x0  }
0x5b: {  	s16 =	simm.s32 @!p0 $0x80;
	s1 =	sadd.s32 @!p0 $0x9D00, s1;
	[sflag:s25] =	ssyncadd.s32 $0xFFFFF400  }
0x5c: {  	[tilespmem:s1], [sflag:$0x1] =	stream.indirect.gather @!p0 [spmem:s2], $0x18, s30, s16, $0xb8;
	[tilespmem:$0x17260] =	vst v63  }
0x5d: {  	_ =	swait.ge [sflag:s15], $0xC00  }
0x5e: {  	s0 =	sshrl.u32 s0, $0x2;
	[sflag:s15] =	ssyncset.done $0x0  }
0x5f: {  	s0 =	sadd.s32 $0x9D00, s0;
	[sflag:s15] =	ssyncadd.s32 $0xFFFFF400  }
0x60: {  	[spmem:s3] =	stream.indirect.scatter.add.f32 [tilespmem:s0], [sflag:$0x2], $0x18, s28, s18, $0xb8;
	[tilespmem:$0x17260] =	vst v63  }
0x61: {  	_ =	swait.ge [sflag:s25], $0xC00  }
0x62: {  	[sflag:s25] =	ssyncset.done $0x0  }
0x63: {  	[sflag:s25] =	ssyncadd.s32 $0xFFFFF400  }
0x64: {  	_ =	swait.ge [sflag:s25], $0xC00  }
0x65: {  	[sflag:s25] =	ssyncset.done $0x0  }
0x66: {  	[sflag:s25] =	ssyncadd.s32 $0xFFFFF400  }
0x67: {  	_ =	swait.ge [sflag:s25], $0xC00  }
0x68: {  	[sflag:s25] =	ssyncset.done $0x0  }
0x69: {  	[sflag:s25] =	ssyncadd.s32 $0xFFFFF400  }
0x6a: {  	_ =	swait.ge [sflag:s25], $0xC00  }
0x6b: {  	s26 =	sadd.s32 $0x1, s26;
	[sflag:s25] =	ssyncset.done $0x0  }
0x6c: {  	p0 =	sne.s32 s26, s10;
	[sflag:s25] =	ssyncadd.s32 $0xFFFFF400  }
.Ltmp1:
0x6d: {  	[bflag:$0x0] =	sbarrier.arrive $0xFFFF;
	(pc) =	sbr.rel @p0 .LBB2_1-.Ltmp1, $4  }
0x6e: {  	[hbm:s9], [sflag:s13] =	dma.local [spmem:s17], $0x756  }
0x6f: {  	_ =	swait.ge [sflag:s11], $0x756  }
0x70: {  	[sflag:s11] =	ssyncset.done $0x0  }
0x71: {  	[sflag:s11] =	ssyncadd.s32 $0xFFFFF8AA  }
0x72: {  	_ =	sfence.sel $0x180000  }
0x73: {  	[bflag:$0x0] =	sbarrier.arrive $0xFFFF  }
0x74: {  	_ =	strace $0x9000004A  }
0x75: {  	s0 =	stileid.u32;
	[bflag:$0x2] =	sbarrier.arrive $0xFFFF  }
0x76: {  	p0 =	sne.s32 s0, $0x0;
	s0 =	rddreg [dreg:$0x4]  }
0x77: {  	s0 =	sadd.s32 @!p0 $0x100000, s0  }
0x78: {  	[sflag:s0] =	ssyncadd.tile.s32 @!p0 $0x1;
	_ =	shalt  }
.Lfunc_end2:
_tile_overlayer_lowered:
.L_overlay_start_2:
0x79: {  	(tag) =	ssettag $0x2  }
0x7a: {  	s0 =	rddreg [dreg:$0x0];
	s2 =	stileid.u32  }
0x7b: {  	s1 =	rddreg [dreg:$0x1];
	p0 =	sne.s32 s2, $0x0  }
0x7c: {  	s3 =	rddreg [dreg:$0x2];
	[bflag:$0x3] =	sbarrier.arrive $0xFFFF;
	s2 =	simm.s32 @!p0 $0x1C03  }
0x7d: {  	[timem:s3], [sflag:s2] =	dma.local @!p0 [hbm:s0], s1  }
0x7e: {  	s0 =	simm.s32 @!p0 $0x3  }
0x7f: {  	_ =	swait.ge @!p0 [sflag:s0], s1  }
0x80: {  	s1 =	ssub.s32 @!p0 $0x0, s1;
	[sflag:s0] =	ssyncset.done @!p0 $0x0  }
0x81: {  	[sflag:s0] =	ssyncadd.s32 @!p0 s1  }
0x82: {  	[bflag:$0x3] =	sbarrier.arrive $0xFFFF  }
0x83: {  	_ =	shalt  }

// kernel: kernel.7.cloned.1.call-start
scs
__scs_entry_jumppad:
0x0: {  	(pc) =	sbr.rel $0x88, $3  }
0x1: {  	(tag) =	ssettag $0x0;
	lr =	simm.s32 $0x1  }
0x2: {  	[smem:$0x3F97] =	sst lr;
	_ =	strace $0xD0000000  }
0x3: {  	_ = 	snop  }
0x4: {  	_ = 	snop  }
0x5: {  	_ = 	snop  }
0x6: {  	_ = 	snop  }
0x7: {  	_ = 	snop  }
__scs_overlays_trampoline_lowered:
0x8: {  	[smem:$0x3FA6] =	sst s0  }
0x9: {  	[smem:$0x3FA7] =	sst s1  }
0xa: {  	[smem:$0x3FA8] =	sst s2  }
0xb: {  	[smem:$0x3FA9] =	sst s3  }
0xc: {  	[smem:$0x3FAA] =	sst s4  }
0xd: {  	[smem:$0x3FAB] =	sst s5  }
0xe: {  	[smem:$0x3FAC] =	sst s6  }
0xf: {  	[smem:$0x3FAD] =	sst s7  }
0x10: {  	[smem:$0x3FAE] =	sst s8  }
0x11: {  	[smem:$0x3FAF] =	sst s9;
	s0 =	simm.s32 @!p0 $0x0  }
0x12: {  	s1 =	sld [smem:$0x3F95];
	s0 =	simm.s32 @p0 $0x1  }
0x13: {  	[smem:$0x3FB0] =	sst s0;
	s0 =	simm.s32 @!p1 $0x0  }
0x14: {  	s2 =	sld [smem:$0x3F94];
	s0 =	simm.s32 @p1 $0x1  }
0x15: {  	[smem:$0x3FB1] =	sst s0;
	s0 =	simm.s32 @!p2 $0x0  }
0x16: {  	s3 =	sld [smem:$0x3FDB];
	s0 =	simm.s32 @p2 $0x1  }
0x17: {  	s4 =	simm.s32 $0x1BF5;
	[smem:$0x3FB3] =	sst s0  }
0x18: {  	s0 =	sld [smem:$0x3F96];
	_ =	swait.ge [sflag:s4], $0x0  }
0x19: {  	s7 =	sld [smem:$0x3F97]  }
0x1a: {  	s8 =	sadd.s32 $0xFFFFE003, lr  }
0x1b: {  	s9 =	sadd.s32 $0xFFFFFEF7, lr;
	s5 =	simm.s32 $0xFFFFFFFF;
	p2 =	slt.u32 s8, $0xFFFFF086  }
0x1c: {  	p1 =	slt.u32 s9, $0xF7A;
	s5 =	simm.s32 @!p2 $0x0  }
0x1d: {  	s5 =	simm.s32 @p1 $0x1;
	p0 =	seq.s32 s7, s2  }
0x1e: {  	s7 =	smul.u32 @!p0 $0xF7A, s2;
	p2 =	seq.s32 @!p0 s5, $0x0  }
0x1f: {  	s9 =	smul.u32 $0xF7A, s1;
	s8 =	simm.s32 @!p0 $0x1BF5;
	p2 =	por !p2, p0  }
0x20: {  	[sflag:s8] =	ssyncset.s32 @!p0 $0xFFFFF086;
	s6 =	sadd.s32 @!p0 s3, s7;
	s7 =	simm.s32 @!p0 $0x108  }
0x21: {  	s3 =	sadd.s32 s3, s9;
	s6 =	sadd.s32 @!p0 $0x88, s6;
	s7 =	simm.s32 @p2 $0x1082  }
0x22: {  	[simem:s7], [sflag:s8] =	dma.local @!p0 [hbm:s6], $0xF7A  }
0x23: {  	s9 =	sor.u32 $0xD0000000, s2;
	s6 =	simm.s32 $0x108;
	_ =	swait.ge @!p0 [sflag:s8], $0x0  }
0x24: {  	s3 =	sadd.s32 $0x88, s3;
	s6 =	simm.s32 @!p1 $0x1082;
	[sflag:s4] =	ssyncset.s32 $0xFFFFF086  }
0x25: {  	[simem:s6], [sflag:s4] =	dma.local [hbm:s3], $0xF7A  }
0x26: {  	[smem:$0x3F97] =	sst s1;
	(tag) =	ssettag s2;
	_ =	strace s9  }
0x27: {  	s1 =	sld [smem:$0x3FA7]  }
0x28: {  	s2 =	sld [smem:$0x3FA8]  }
0x29: {  	s4 =	sld [smem:$0x3FAA]  }
0x2a: {  	p0 =	seq.s32 s5, $0x0;
	s5 =	sld [smem:$0x3FAB]  }
0x2b: {  	s6 =	sld [smem:$0x3FAC]  }
0x2c: {  	s7 =	sld [smem:$0x3FAD]  }
0x2d: {  	s3 =	simm.s32 $0x108;
	s8 =	sld [smem:$0x3FAE]  }
0x2e: {  	s3 =	simm.s32 @!p0 $0x1082;
	s9 =	sld [smem:$0x3FAF]  }
0x2f: {  	lr =	sadd.s32 s0, s3;
	s0 =	sld [smem:$0x3FA6]  }
0x30: {  	s3 =	sld [smem:$0x3FA9]  }
0x31: {  	[smem:$0x3FB2] =	sst s10  }
0x32: {  	s10 =	sld [smem:$0x3FB0];
	_ =	sdelay $0x3  }
0x33: {  	p0 =	seq.s32 s10, $0x1;
	s10 =	sld [smem:$0x3FB2];
	_ =	sdelay $0x3  }
0x34: {  	[smem:$0x3FB2] =	sst s10  }
0x35: {  	s10 =	sld [smem:$0x3FB1];
	_ =	sdelay $0x3  }
0x36: {  	p1 =	seq.s32 s10, $0x1;
	s10 =	sld [smem:$0x3FB2];
	_ =	sdelay $0x3  }
0x37: {  	[smem:$0x3FB2] =	sst s10  }
0x38: {  	s10 =	sld [smem:$0x3FB3]  }
0x39: {  	_ = 	snop;
	(pc) =	sbr.ind lr, $3  }
0x3a: {  	_ = 	snop  }
0x3b: {  	_ = 	snop  }
0x3c: {  	p2 =	seq.s32 s10, $0x1;
	s10 =	sld [smem:$0x3FB2]  }
0x3d: {  	_ =	shalt  }
0x3e: {  	_ =	shalt  }
0x3f: {  	_ =	shalt  }
0x40: {  	_ =	shalt  }
0x41: {  	_ =	shalt  }
0x42: {  	_ =	shalt  }
0x43: {  	_ =	shalt  }
0x44: {  	_ =	shalt  }
0x45: {  	_ =	shalt  }
0x46: {  	_ =	shalt  }
0x47: {  	_ =	shalt  }
0x48: {  	_ =	shalt  }
0x49: {  	_ =	shalt  }
0x4a: {  	_ =	shalt  }
0x4b: {  	_ =	shalt  }
0x4c: {  	_ =	shalt  }
0x4d: {  	_ =	shalt  }
0x4e: {  	_ =	shalt  }
0x4f: {  	_ =	shalt  }
0x50: {  	_ =	shalt  }
0x51: {  	_ =	shalt  }
0x52: {  	_ =	shalt  }
0x53: {  	_ =	shalt  }
0x54: {  	_ =	shalt  }
0x55: {  	_ =	shalt  }
0x56: {  	_ =	shalt  }
0x57: {  	_ =	shalt  }
0x58: {  	_ =	shalt  }
0x59: {  	_ =	shalt  }
0x5a: {  	_ =	shalt  }
0x5b: {  	_ =	shalt  }
0x5c: {  	_ =	shalt  }
0x5d: {  	_ =	shalt  }
0x5e: {  	_ =	shalt  }
0x5f: {  	_ =	shalt  }
0x60: {  	_ =	shalt  }
0x61: {  	_ =	shalt  }
0x62: {  	_ =	shalt  }
0x63: {  	_ =	shalt  }
0x64: {  	_ =	shalt  }
0x65: {  	_ =	shalt  }
0x66: {  	_ =	shalt  }
0x67: {  	_ =	shalt  }
0x68: {  	_ =	shalt  }
0x69: {  	_ =	shalt  }
0x6a: {  	_ =	shalt  }
0x6b: {  	_ =	shalt  }
0x6c: {  	_ =	shalt  }
0x6d: {  	_ =	shalt  }
0x6e: {  	_ =	shalt  }
0x6f: {  	_ =	shalt  }
0x70: {  	_ =	shalt  }
0x71: {  	_ =	shalt  }
0x72: {  	_ =	shalt  }
0x73: {  	_ =	shalt  }
0x74: {  	_ =	shalt  }
0x75: {  	_ =	shalt  }
0x76: {  	_ =	shalt  }
0x77: {  	_ =	shalt  }
0x78: {  	_ =	shalt  }
0x79: {  	_ =	shalt  }
0x7a: {  	_ =	shalt  }
0x7b: {  	_ =	shalt  }
0x7c: {  	_ =	shalt  }
0x7d: {  	_ =	shalt  }
0x7e: {  	_ =	shalt  }
0x7f: {  	_ =	shalt  }
0x80: {  	_ =	shalt  }
0x81: {  	_ =	shalt  }
0x82: {  	_ =	shalt  }
0x83: {  	_ =	shalt  }
0x84: {  	_ =	shalt  }
0x85: {  	_ =	shalt  }
0x86: {  	_ =	shalt  }
0x87: {  	_ =	shalt  }
.Lfunc_end0:
.L_simem_size_0:
called_computation_lowered:
.L_overlay_start_0:
0x88: {  	s2 =	sld [smem:$0x3FD9]  }
0x89: {  	s3 =	sld [smem:$0x3FFE];
	_ =	sdelay $0x1  }
0x8a: {  	s1 =	srdreg.scid  }
0x8b: {  	s0 =	sand.u32 $0x1, s1  }
0x8c: {  	s17 =	sshll.u32 s0, $0xA;
	s2 =	sadd.s32 s3, s2  }
0x8d: {  	s2 =	sadd.s32 s2, s17  }
0x8e: {  	[smem:$0x3FBE] =	sst s2  }
0x8f: {  	_ = 	snop  }
0x90: {  	s2 =	sld [smem:$0x3FD0];
	(tm) =	ssettm $0x1  }
0x91: {  	s18 =	sld [smem:$0x3FFB];
	_ =	sdelay $0x3  }
0x92: {  	_ =	strace s18  }
0x93: {  	s3 =	sld [smem:$0x3FFC];
	_ =	sdelay $0x3  }
0x94: {  	_ =	strace s3  }
0x95: {  	s3 =	sld [smem:$0x3FFD];
	_ =	sdelay $0x3  }
0x96: {  	_ =	strace s3  }
0x97: {  	_ =	strace $0x8FFFFFFF  }
0x98: {  	s19 =	sld [smem:$0x3FDB];
	_ =	sdelay $0x1  }
0x99: {  	s4 =	simm.s32 $_scs_section_size  }
0x9a: {  	s5 =	simm.s32 $_size__tile_overlayer_lowered;
	s6 =	simm.s32 $_tile_overlayer_lowered  }
0x9b: {  	s22 =	simm.s32 $0x1BFF;
	s21 =	sshll.u32 s6, $0x1;
	s3 =	sadd.s32 s4, s19  }
0x9c: {  	s7 =	simm.s32 $0x0;
	s20 =	sshll.u32 s5, $0x1;
	s5 =	sadd.s32 s21, s3  }
0x9d: {  	[timem:s7], [sflag:s22] =	dma.local [hbm:s5], s20  }
0x9e: {  	_ =	swait.ge [sflag:s22], s20  }
0x9f: {  	s4 =	ssub.s32 $0x0, s20;
	[sflag:s22] =	ssyncset.done $0x0  }
0xa0: {  	[sflag:s22] =	ssyncadd.s32 s4;
	_ =	sdelay $0x1  }
0xa1: {  	s23 =	simm.s32 $0x1B8B  }
0xa2: {  	_ =	swait.ge [sflag:s23], $0x1  }
0xa3: {  	[sflag:s23] =	ssyncset.done $0x0  }
0xa4: {  	s25 =	simm.s32 $0x1B8E;
	s24 =	sld [smem:$0x3FFE];
	[sflag:s23] =	ssyncadd.s32 $0xFFFFFFFF  }
0xa5: {  	s26 =	simm.s32 $execute0_lowered;
	[smem:$0x3FD2] =	sst s25  }
0xa6: {  	s5 =	sshll.u32 s26, $0x1;
	_ =	strace $0x80000046;
	[dreg:$0x1] =	wrdreg $0xFFFFFFFF  }
0xa7: {  	s28 =	simm.s32 $_size_execute0_lowered;
	s3 =	sadd.s32 s3, s5;
	[dreg:$0x0] =	wrdreg $0x0  }
0xa8: {  	s5 =	sshll.u32 s28, $0x1;
	[dreg:$0x2] =	wrdreg s3  }
0xa9: {  	[dreg:$0x3] =	wrdreg s5  }
0xaa: {  	[dreg:$0x4] =	wrdreg $0xC0  }
0xab: {  	_ =	task [dreg:s7], $0x5FFFF  }
0xac: {  	[dreg:$0x1] =	wrdreg $0xFFFFFFFF  }
0xad: {  	[dreg:$0x0] =	wrdreg $0x60  }
0xae: {  	[dreg:$0x2] =	wrdreg s24  }
0xaf: {  	[dreg:$0x3] =	wrdreg s2  }
0xb0: {  	[dreg:$0x4] =	wrdreg $0x11D000  }
0xb1: {  	[dreg:$0x5] =	wrdreg $0x16B400  }
0xb2: {  	[dreg:$0x6] =	wrdreg $0x1BD800  }
0xb3: {  	[dreg:$0x7] =	wrdreg $0x9  }
0xb4: {  	_ =	task.clear_ibuf [dreg:s7], $0x8FFFF;
	_ =	strace $0x90000046  }
0xb5: {  	s29 =	simm.s32 $0x9;
	_ =	strace $0x80000048  }
0xb6: {  	_ =	swait.ge [sflag:s29], $0x1  }
0xb7: {  	[sflag:s29] =	ssyncadd.s32 $0xFFFFFFFF  }
0xb8: {  	_ =	strace $0x90000048  }
0xb9: {  	_ =	sfence  }
0xba: {  	s30 =	sld [smem:$0x0];
	_ =	sdelay $0x2  }
0xbb: {  	s31 =	sshll.u32 s1, $0xD;
	s1 =	sshrl.u32 s1, $0x2  }
0xbc: {  	s3 =	sand.u32 $0x4000, s31;
	s1 =	sadd.s32 s1, s30  }
0xbd: {  	s0 =	sor.u32 s3, s0;
	s1 =	sshll.u32 s1, $0x11  }
0xbe: {  	s0 =	sor.u32 s1, s0  }
0xbf: {  	s0 =	sadd.s32 $0x8F2B, s0  }
0xc0: {  	[sflag:s0] =	ssyncadd.remote.s32 $0x1  }
0xc1: {  	_ =	sfence.sel $0xFFFF  }
0xc2: {  	[dreg:$0x0] =	wrdreg $0xFFFFFFFF;
	(pc) =	sbr.abs _section_cstart, $3  }
0xc3: {  	[dreg:$0x1] =	wrdreg $0xFFFFFFFF  }
0xc4: {  	_ =	task.clear_ibuf [dreg:s7], $0x2FFFF;
	_ =	strace $0x9FFFFFFF  }
0xc5: {  	(tm) =	ssettm $0x7FFFFFFF  }
tec
execute0_lowered:
.L_overlay_start_1:
0x0: {  	(tag) =	ssettag $0x1  }
0x1: {  	s0 =	rddreg [dreg:$0x0]  }
0x2: {  	s1 =	rddreg [dreg:$0x1]  }
0x3: {  	s2 =	rddreg [dreg:$0x2]  }
0x4: {  	s3 =	rddreg [dreg:$0x3];
	s18 =	stileid.u32  }
0x5: {  	s4 =	rddreg [dreg:$0x4];
	s8 =	smul.u32 $0x13880, s18  }
0x6: {  	s5 =	srdreg.scid;
	s9 =	smul.u32 $0x4E80, s18  }
0x7: {  	s6 =	simm.s32 $0x0;
	s20 =	simm.s32 $0x1;
	s12 =	smul.u32 $0x1390, s18  }
0x8: {  	s31 =	simm.s32 $0xCD00;
	s5 =	sand.u32 $0x1, s5;
	s11 =	smul.u32 $0x4E40, s18  }
0x9: {  	[smem:$0x7FF] =	sst s6;
	s30 =	sshll.u32 s18, $0x6;
	s25 =	smul.u32 $0x4E400, s5  }
0xa: {  	s7 =	sshll.u32 s5, $0x5;
	_ =	strace $0x80000047;
	s15 =	smul.u32 $0x13900, s5  }
0xb: {  	s16 =	ssub.s32 $0x2, s5;
	s18 =	sor.u32 $0x1C04, s30;
	p0 =	seq.s32 s5, $0x0  }
0xc: {  	s7 =	sor.u32 s7, s8;
	s24 =	sshrl.u32 s9, $0x3;
	s14 =	sshrl.u32 s12, $0x3  }
0xd: {  	s28 =	sshrl.u32 s16, $0x1;
	s29 =	sshrl.u32 s8, $0x2;
	s21 =	sadd.s32 s11, s3  }
0xe: {  	s7 =	sshrl.u32 s7, $0x3;
	s13 =	sadd.s32 s24, s0;
	s14 =	sadd.s32 s14, s0  }
0xf: {  	s9 =	sadd.s32 s11, s25;
	s15 =	sadd.s32 s12, s15;
	s16 =	ssub.s32 s16, s28  }
0x10: {  	s19 =	sadd.s32 s29, s2;
	s11 =	sshrl.u32 s11, $0x3;
	s12 =	sadd.s32 s12, s4  }
0x11: {  	s22 =	sshrl.u32 s21, $0x3;
	s24 =	simm.s32 $0x80;
	s10 =	sadd.s32 s7, s0  }
0x12: {  	s7 =	sadd.s32 $0x40800, s0;
	s9 =	sshrl.u32 s9, $0x3;
	s26 =	sshrl.u32 s15, $0x3  }
.Ltmp0:
0x13: {  	s8 =	sadd.s32 $0x3400, s13;
	s11 =	sadd.s32 s1, s11;
	(pc) =	sbr.rel .LBB2_1-.Ltmp0, $4  }
0x14: {  	s16 =	smax.u32 s16, $0x1;
	s19 =	sshrl.u32 s19, $0x3;
	s1 =	simm.s32 $0x0  }
0x15: {  	s17 =	sadd.s32 s9, s0;
	s0 =	sadd.s32 s26, s0;
	s9 =	sadd.s32 $0xD100, s13  }
0x16: {  	s10 =	sadd.s32 $0x16E00, s10;
	s13 =	sadd.s32 $0x3E000, s14;
	s14 =	sadd.s32 $0x45A00, s17  }
0x17: {  	s15 =	sadd.s32 $0x40A00, s0;
	s17 =	simm.s32 $0x4;
	s0 =	simm.s32 $0x2  }
.LBB2_6:
0x18: {  	_ =	swait.ge [sflag:s0], $0x1000  }
0x19: {  	[sflag:s0] =	ssyncset.done $0x0  }
0x1a: {  	s23 =	simm.s32 @p0 $0x2;
	[sflag:s0] =	ssyncadd.s32 $0xFFFFF000  }
0x1b: {  	_ =	swait.ge @p0 [sflag:s23], $0x1000  }
0x1c: {  	[sflag:s23] =	ssyncset.done @p0 $0x0  }
0x1d: {  	s25 =	simm.s32 @p0 $0x3;
	[sflag:s23] =	ssyncadd.s32 @p0 $0xFFFFF000  }
0x1e: {  	_ =	swait.ge @p0 [sflag:s25], $0x400  }
0x1f: {  	[sflag:s25] =	ssyncset.done @p0 $0x0  }
0x20: {  	[sflag:s25] =	ssyncadd.s32 @p0 $0xFFFFFC00  }
0x21: {  	_ =	swait.ge @p0 [sflag:s23], $0x1000  }
0x22: {  	[sflag:s23] =	ssyncset.done @p0 $0x0  }
0x23: {  	[sflag:s23] =	ssyncadd.s32 @p0 $0xFFFFF000  }
0x24: {  	_ =	swait.ge @p0 [sflag:s23], $0x1000  }
0x25: {  	[sflag:s23] =	ssyncset.done @p0 $0x0  }
0x26: {  	[sflag:s23] =	ssyncadd.s32 @p0 $0xFFFFF000  }
0x27: {  	_ =	swait.ge @p0 [sflag:s25], $0x400  }
0x28: {  	[sflag:s25] =	ssyncset.done @p0 $0x0  }
0x29: {  	s23 =	simm.s32 @!p0 $0x3;
	[sflag:s25] =	ssyncadd.s32 @p0 $0xFFFFFC00  }
0x2a: {  	_ =	swait.ge @!p0 [sflag:s23], $0x400  }
0x2b: {  	[sflag:s23] =	ssyncset.done @!p0 $0x0  }
0x2c: {  	s25 =	simm.s32 @!p0 $0x2;
	[sflag:s23] =	ssyncadd.s32 @!p0 $0xFFFFFC00  }
0x2d: {  	_ =	swait.ge @!p0 [sflag:s25], $0x1000  }
0x2e: {  	[sflag:s25] =	ssyncset.done @!p0 $0x0  }
0x2f: {  	[sflag:s25] =	ssyncadd.s32 @!p0 $0xFFFFF000  }
0x30: {  	_ =	swait.ge @!p0 [sflag:s25], $0x1000  }
0x31: {  	[sflag:s25] =	ssyncset.done @!p0 $0x0  }
0x32: {  	[sflag:s25] =	ssyncadd.s32 @!p0 $0xFFFFF000  }
0x33: {  	_ =	swait.ge @!p0 [sflag:s23], $0x400  }
0x34: {  	[sflag:s23] =	ssyncset.done @!p0 $0x0  }
0x35: {  	[sflag:s23] =	ssyncadd.s32 @!p0 $0xFFFFFC00  }
0x36: {  	_ =	swait.ge @!p0 [sflag:s25], $0x1000  }
0x37: {  	[sflag:s25] =	ssyncset.done @!p0 $0x0  }
0x38: {  	[sflag:s25] =	ssyncadd.s32 @!p0 $0xFFFFF000  }
0x39: {  	[bflag:$0x0] =	sbarrier.arrive $0xFFFF  }
0x3a: {  	[hbm:s14], [sflag:s18] =	dma.local [spmem:s22], $0x9C8  }
0x3b: {  	s1 =	sadd.s32 $0x1, s1;
	_ =	swait.ge [sflag:s17], $0x9C8  }
0x3c: {  	p1 =	sne.s32 s1, s16;
	[sflag:s17] =	ssyncset.done $0x0  }
.Ltmp1:
0x3d: {  	[sflag:s17] =	ssyncadd.s32 $0xFFFFF638;
	(pc) =	sbr.rel @!p1 .LBB2_7-.Ltmp1, $4  }
0x3e: {  	[hbm:s15], [sflag:s18] =	dma.local [spmem:s21], $0x272  }
0x3f: {  	_ =	swait.ge [sflag:s17], $0x272  }
0x40: {  	[sflag:s17] =	ssyncset.done $0x0  }
0x41: {  	[sflag:s17] =	ssyncadd.s32 $0xFFFFFD8E  }
.LBB2_1:
0x42: {  	[tilespmem:s6], [sflag:$0x4] =	stream.linear.gather [hbm4b:s8+s6], $0x4E80, $0x38;
	[tilespmem:$0x1D110] =	vst v63  }
0x43: {  	_ =	swait.ge [sflag:s17], $0x4E80  }
0x44: {  	[sflag:s17] =	ssyncset.done $0x0  }
0x45: {  	s23 =	simm.s32 $0x4E80;
	[sflag:s17] =	ssyncadd.s32 $0xFFFFB180  }
0x46: {  	[tilespmem:s23], [sflag:$0x4] =	stream.linear.gather [hbm4b:s9+s6], $0x4E80, $0x38;
	[tilespmem:$0x1D110] =	vst v63  }
0x47: {  	_ =	swait.ge [sflag:s17], $0x4E80  }
0x48: {  	[sflag:s17] =	ssyncset.done $0x0  }
0x49: {  	s21 =	simm.s32 $0x10;
	[sflag:s17] =	ssyncadd.s32 $0xFFFFB180  }
0x4a: {  	[spmem:s19@s17], [sflag:s18] =	dma.strided [hbm:s10@s21], $0x9C4, s20, $0x4   }
0x4b: {  	_ =	swait.ge [sflag:s17], $0x9C4  }
0x4c: {  	[sflag:s17] =	ssyncset.done $0x0  }
0x4d: {  	[sflag:s17] =	ssyncadd.s32 $0xFFFFF63C  }
0x4e: {  	[spmem:s22], [sflag:s18] =	dma.local [hbm:s11], $0x9C8  }
0x4f: {  	_ =	swait.ge [sflag:s17], $0x9C8  }
0x50: {  	[sflag:s17] =	ssyncset.done $0x0  }
0x51: {  	s25 =	simm.s32 $0x1B980;
	[sflag:s17] =	ssyncadd.s32 $0xFFFFF638  }
0x52: {  	[tilespmem:s25], [sflag:$0x4] =	stream.linear.gather [hbm4b:s7+s6], $0x400, $0x38;
	[tilespmem:$0x1D110] =	vst v63  }
0x53: {  	_ =	swait.ge [sflag:s17], $0x400  }
0x54: {  	[sflag:s17] =	ssyncset.done $0x0  }
0x55: {  	s21 =	sshrl.u32 s12, $0x3;
	[sflag:s17] =	ssyncadd.s32 $0xFFFFFC00  }
0x56: {  	[spmem:s21], [sflag:s18] =	dma.local [hbm:s13], $0x272  }
0x57: {  	_ =	swait.ge [sflag:s17], $0x272  }
0x58: {  	[sflag:s17] =	ssyncset.done $0x0  }
0x59: {  	[sflag:s17] =	ssyncadd.s32 $0xFFFFFD8E  }
0x5a: {  	s25 =	simm.s32 $0x9D00;
	[bflag:$0x0] =	sbarrier.arrive $0xFFFF  }
0x5b: {  	[tilespmem:s25], [sflag:$0x1] =	stream.indirect.gather [spmem:s2], $0x20, s6, s24, $0xb8;
	[tilespmem:$0x1D110] =	vst v63  }
0x5c: {  	s26 =	simm.s32 $0xAD00  }
0x5d: {  	[tilespmem:s26], [sflag:$0x1] =	stream.indirect.gather [spmem:s2], $0x20, s24, s24, $0xb8;
	[tilespmem:$0x1D110] =	vst v63  }
.Ltmp2:
0x5e: {  	_ = 	snop;
	(pc) =	sbr.rel .LBB2_2-.Ltmp2, $4  }
0x5f: {  	s29 =	simm.s32 $0x100;
	s30 =	simm.s32 $0x180;
	s26 =	simm.s32 $0xBD00  }
0x60: {  	[tilespmem:s26], [sflag:$0x1] =	stream.indirect.gather [spmem:s2], $0x20, s29, s24, $0xb8;
	[tilespmem:$0x1D110] =	vst v63  }
0x61: {  	s28 =	simm.s32 $0x0;
	s25 =	simm.s32 $0x10000;
	s26 =	simm.s32 $0x200  }
0x62: {  	[tilespmem:s31], [sflag:$0x1] =	stream.indirect.gather [spmem:s2], $0x20, s30, s24, $0xb8;
	[tilespmem:$0x1D110] =	vst v63  }
.LBB2_4:
0x63: {  	s30 =	sand.u32 $0x1C000, s25  }
0x64: {  	s30 =	sshrl.u32 s30, $0x2  }
0x65: {  	s30 =	sadd.s32 $0x9D00, s30  }
0x66: {  	[tilespmem:s30], [sflag:$0x1] =	stream.indirect.gather [spmem:s2], $0x20, s26, s24, $0xb8;
	[tilespmem:$0x1D110] =	vst v63  }
.LBB2_5:
0x67: {  	s30 =	sadd.s32 $0xFFFF0000, s25  }
0x68: {  	_ =	swait.ge [sflag:s20], $0x1000;
	s30 =	sand.u32 $0x1C000, s30  }
0x69: {  	[sflag:s20] =	ssyncset.done $0x0;
	s30 =	sshrl.u32 s30, $0x2  }
0x6a: {  	p1 =	sne.s32 s29, s5;
	[sflag:s20] =	ssyncadd.s32 $0xFFFFF000;
	s30 =	sadd.s32 $0x9D00, s30  }
0x6b: {  	[spmem:s3] =	stream.indirect.scatter.add.f32 [tilespmem:s30], [sflag:$0x2], $0x20, s23, s24, $0xb8;
	[tilespmem:$0x1D110] =	vst v63  }
0x6c: {  	s28 =	sadd.s32 $0x1, s28;
	s29 =	simm.s32 @!p1 $0x80;
	s30 =	simm.s32 @!p1 $0x1B980  }
0x6d: {  	[spmem:s4] =	stream.indirect.scatter.add.f32 @!p1 [tilespmem:s30], [sflag:$0x3], $0x8, s23, s29, $0xb8;
	[tilespmem:$0x1D110] =	vst v63  }
0x6e: {  	p1 =	sne.s32 s28, $0x9D  }
.Ltmp3:
0x6f: {  	_ = 	snop;
	(pc) =	sbr.rel @!p1 .LBB2_6-.Ltmp3, $2  }
0x70: {  	_ =	sdelay $0x2  }
0x71: {  	s25 =	sadd.s32 $0x4000, s25;
	s26 =	sadd.s32 $0x80, s26;
	s23 =	sadd.s32 $0x80, s23  }
.LBB2_2:
0x72: {  	p1 =	sgt.u32 s28, $0x3  }
.Ltmp4:
0x73: {  	_ = 	snop;
	(pc) =	sbr.rel @!p1 .LBB2_4-.Ltmp4, $2  }
0x74: {  	_ =	sdelay $0x2  }
0x75: {  	s29 =	sand.u32 $0x1, s28  }
0x76: {  	_ =	swait.ge [sflag:s0], $0x1000;
	s29 =	sand.u32 $0x1, s28;
	p2 =	sgt.u32 s28, $0x98  }
.Ltmp5:
0x77: {  	[sflag:s0] =	ssyncset.done $0x0;
	p1 =	sne.s32 s29, s5;
	(pc) =	sbr.rel @p2 .LBB2_5-.Ltmp5, $4  }
.Ltmp6:
0x78: {  	[sflag:s0] =	ssyncadd.s32 $0xFFFFF000;
	s30 =	simm.s32 @!p1 $0x3;
	(pc) =	sbr.rel @!p2 .LBB2_4-.Ltmp6, $4  }
0x79: {  	_ =	swait.ge @!p1 [sflag:s30], $0x400  }
0x7a: {  	[sflag:s30] =	ssyncset.done @!p1 $0x0  }
0x7b: {  	[sflag:s30] =	ssyncadd.s32 @!p1 $0xFFFFFC00  }
0x7c: {  	_ = 	snop  }
.LBB2_7:
0x7d: {  	_ =	sfence.sel $0x180000  }
0x7e: {  	[bflag:$0x0] =	sbarrier.arrive $0xFFFF  }
0x7f: {  	_ =	strace $0x90000047  }
0x80: {  	s0 =	stileid.u32;
	[bflag:$0x2] =	sbarrier.arrive $0xFFFF  }
0x81: {  	p0 =	sne.s32 s0, $0x0;
	s0 =	rddreg [dreg:$0x5]  }
0x82: {  	s0 =	sadd.s32 @!p0 $0x100000, s0  }
0x83: {  	[sflag:s0] =	ssyncadd.tile.s32 @!p0 $0x1;
	_ =	shalt  }
.Lfunc_end2:
_tile_overlayer_lowered:
.L_overlay_start_2:
0x84: {  	(tag) =	ssettag $0x2  }
0x85: {  	s0 =	rddreg [dreg:$0x0];
	s2 =	stileid.u32  }
0x86: {  	s1 =	rddreg [dreg:$0x1];
	p0 =	sne.s32 s2, $0x0  }
0x87: {  	s3 =	rddreg [dreg:$0x2];
	[bflag:$0x3] =	sbarrier.arrive $0xFFFF;
	s2 =	simm.s32 @!p0 $0x1C04  }
0x88: {  	[timem:s3], [sflag:s2] =	dma.local @!p0 [hbm:s0], s1  }
0x89: {  	s0 =	simm.s32 @!p0 $0x4  }
0x8a: {  	_ =	swait.ge @!p0 [sflag:s0], s1  }
0x8b: {  	s1 =	ssub.s32 @!p0 $0x0, s1;
	[sflag:s0] =	ssyncset.done @!p0 $0x0  }
0x8c: {  	[sflag:s0] =	ssyncadd.s32 @!p0 s1  }
0x8d: {  	[bflag:$0x3] =	sbarrier.arrive $0xFFFF  }
0x8e: {  	_ =	shalt  }

</sc_bundles>
